<compile_context>
chip_gen: v7x
topology: tpu7x:2x2x1
jax: 0.10.2.dev20260603
libtpu: 0.0.44.dev20260713+nightly
codegen_flags: <defaults>
</compile_context>

<pallas_src>
import functools

import jax
import jax.numpy as jnp
from jax import lax
from jax.experimental import pallas as pl
from jax.experimental.pallas import tpu as pltpu
from jax.experimental.pallas import tpu_sc as plsc

_NC = 2
_NS = 16
_NW = _NC * _NS
_LANES = 16

_CHUNK = 1024


def _vtake(v, ids):
  return lax.gather(
      v, ids[:, None],
      dimension_numbers=lax.GatherDimensionNumbers(
          offset_dims=(), collapsed_slice_dims=(0,), start_index_map=(0,)),
      slice_sizes=(1,),
      mode=lax.GatherScatterMode.PROMISE_IN_BOUNDS)


def _sc_gather(args, B, V, D, n_groups):
  per_w = B // _NW
  assert n_groups % 2 == 0 and n_groups >= 4
  mesh = plsc.VectorSubcoreMesh(core_axis_name="c", subcore_axis_name="s")

  @functools.partial(
      pl.kernel,
      out_type=jax.ShapeDtypeStruct((B * D,), jnp.float32),
      mesh=mesh,
      scratch_types=[
          pltpu.VMEM((V * D,), jnp.float32),
          pltpu.VMEM((2, _CHUNK), jnp.int32),
          pltpu.VMEM((2, _CHUNK * D), jnp.float32),
          pltpu.VMEM((_LANES,), jnp.int32),
          pltpu.SemaphoreType.DMA,
          pltpu.SemaphoreType.DMA,
          pltpu.SemaphoreType.DMA,
          pltpu.SemaphoreType.DMA,
      ],
      compiler_params=pltpu.CompilerParams(use_tc_tiling_on_sc=False,
                                           needs_layout_passes=False),
  )
  def k(idx_hbm, off_hbm, table_hbm, out_hbm, table_v, idx_v, rows_v, off_v,
        sem_i0, sem_i1, sem_o0, sem_o1):
    wid = lax.axis_index("s") * _NC + lax.axis_index("c")
    base = wid * per_w
    sem_i = (sem_i0, sem_i1)
    sem_o = (sem_o0, sem_o1)
    pltpu.sync_copy(off_hbm, off_v)
    pltpu.sync_copy(table_hbm, table_v)
    offv = off_v[...] * D
    iota = lax.iota(jnp.int32, _LANES)
    oi = offv + iota
    consts = [jnp.full((_LANES,), h * _LANES, dtype=jnp.int32)
              for h in range(D // _LANES)]

    pltpu.async_copy(idx_hbm.at[pl.ds(base, _CHUNK)], idx_v.at[0], sem_i[0])
    pltpu.async_copy(idx_hbm.at[pl.ds(base + _CHUNK, _CHUNK)], idx_v.at[1],
                     sem_i[1])

    def gather_group(p):
      iv = idx_v.at[p]
      rv = rows_v.at[p]

      def body(c4, carry):
        idxv = plsc.load_gather(iv, [c4 * _LANES + iota])
        gs = []
        for r in range(_LANES):
          ridx = _vtake(idxv, jnp.full((_LANES,), r, dtype=jnp.int32))
          e0 = ridx * D + oi
          for h in range(D // _LANES):
            gs.append(plsc.load_gather(table_v, [e0 + consts[h]]))
        base_w = c4 * (_LANES * D)
        for j, g in enumerate(gs):
          rv[pl.ds(base_w + j * _LANES, _LANES)] = g
        return carry

      lax.fori_loop(0, _CHUNK // _LANES, body, None)

    def half(g2, p):
      g = g2 * 2 + p
      start = base + g * _CHUNK
      rv = rows_v.at[p]
      out_slice = out_hbm.at[pl.ds(start * D, _CHUNK * D)]

      @pl.when(g2 >= 1)
      def _():
        pltpu.make_async_copy(rv, out_slice, sem_o[p]).wait()

      pltpu.make_async_copy(idx_hbm.at[pl.ds(start, _CHUNK)], idx_v.at[p],
                            sem_i[p]).wait()
      gather_group(p)

      pltpu.async_copy(rv, out_slice, sem_o[p])

      @pl.when(g2 < n_groups // 2 - 1)
      def _():
        pltpu.async_copy(idx_hbm.at[pl.ds(start + 2 * _CHUNK, _CHUNK)],
                         idx_v.at[p], sem_i[p])

    def pair(g2, carry):
      half(g2, 0)
      half(g2, 1)
      return carry

    lax.fori_loop(0, n_groups // 2, pair, None)

    tail = base + (n_groups - 2) * _CHUNK
    pltpu.make_async_copy(rows_v.at[0],
                          out_hbm.at[pl.ds(tail * D, _CHUNK * D)],
                          sem_o[0]).wait()
    pltpu.make_async_copy(rows_v.at[1],
                          out_hbm.at[pl.ds((tail + _CHUNK) * D, _CHUNK * D)],
                          sem_o[1]).wait()

  idx, off_vec, table = args
  return k(idx, off_vec, table)


def kernel(rel_pos_matrix, len, embeddings_table):
  n = rel_pos_matrix.shape[0]
  V, D = embeddings_table.shape
  B = n * n
  idx = rel_pos_matrix.reshape(B)
  off = jnp.asarray(len, jnp.int32) - jnp.int32(n)
  off_vec = jnp.full((_LANES,), off, dtype=jnp.int32)
  per_w = B // _NW
  assert per_w % _CHUNK == 0
  out = _sc_gather((idx, off_vec, embeddings_table.reshape(V * D)), B, V, D,
                   per_w // _CHUNK)
  return out.reshape(n, n, D)

# --- scband reference (transcript-rebuilt; emitter-appended) ---
"""Pipeline reference for scband-relative-position-1649267441669 (READ-ONLY COPY).

The authoritative reference and input builder live on the scoring server;
editing this copy changes nothing except your own understanding.
"""

import jax, jax.numpy as jnp
import numpy as np

NUM_UNITS = 32
MAX_REL_POS = 512
SEQ = 2048

def setup_inputs(seed: int = 0) -> dict:
    key = jax.random.key(seed)
    k1, k2 = jax.random.split(key)
    rel_pos_matrix = jax.random.randint(k1, (SEQ, SEQ), 0, MAX_REL_POS, dtype=jnp.int32)
    # xavier_uniform init for the embeddings table [MAX_REL_POS, NUM_UNITS]
    bound = float(np.sqrt(6.0 / (MAX_REL_POS + NUM_UNITS)))
    embeddings_table = jax.random.uniform(k2, (MAX_REL_POS, NUM_UNITS), minval=-bound, maxval=bound, dtype=jnp.float32)
    return {"rel_pos_matrix": rel_pos_matrix, "len": SEQ, "embeddings_table": embeddings_table}

def reference(rel_pos_matrix, len, embeddings_table):
    n = rel_pos_matrix.shape[0]
    m = rel_pos_matrix[:n, :n]
    final_mat = m.astype(jnp.int32) + (jnp.asarray(len, dtype=jnp.int32) - n)
    embeddings = jnp.take(embeddings_table, final_mat, axis=0)
    return embeddings

if __name__ == "__main__":
    import jax
    _d = setup_inputs()
    print(jax.jit(kernel)(*tuple(_d.values())))

</pallas_src>

<mosaic_0001>
#map = affine_map<(d0, d1) -> (0)>
module attributes {stable_mosaic.version = 14 : i64} {
  func.func @k(%arg0: i32, %arg1: i32, %arg2: memref<4194304xi32, #tpu.memory_space<hbm>>, %arg3: memref<16xi32, #tpu.memory_space<hbm>>, %arg4: memref<16384xf32, #tpu.memory_space<hbm>>, %arg5: memref<134217728xf32, #tpu.memory_space<hbm>>, %arg6: memref<16384xf32, #tpu.memory_space<vmem>>, %arg7: memref<2x1024xi32, #tpu.memory_space<vmem>>, %arg8: memref<2x32768xf32, #tpu.memory_space<vmem>>, %arg9: memref<16xi32, #tpu.memory_space<vmem>>, %arg10: memref<!tpu.dma_semaphore, #tpu.memory_space<semaphore_mem>>, %arg11: memref<!tpu.dma_semaphore, #tpu.memory_space<semaphore_mem>>, %arg12: memref<!tpu.dma_semaphore, #tpu.memory_space<semaphore_mem>>, %arg13: memref<!tpu.dma_semaphore, #tpu.memory_space<semaphore_mem>>) attributes {dimension_semantics = [#tpu.dimension_semantics<core_parallel>, #tpu.dimension_semantics<subcore_parallel>], iteration_bounds = array<i64: 2, 16>, scalar_prefetch = 0 : i64, scratch_operands = 8 : i64, tpu.core_type = #tpu.core_type<sc_vector_subcore>, window_params = [{transform_indices = #map}, {transform_indices = #map}, {transform_indices = #map}, {transform_indices = #map}]} {
    %mul3A = arith.constant 2 : i32
    %mul3A_0 = arith.muli %arg1, %mul3A : i32
    %add3A = arith.addi %mul3A_0, %arg0 : i32
    %mul3A_1 = arith.constant 131072 : i32
    %mul3A_2 = arith.muli %add3A, %mul3A_1 : i32
    "tpu.region"() ({
      %run_scoped3A = tpu.sem_alloc : memref<!tpu.dma_semaphore, #tpu.memory_space<semaphore_mem>>
      tpu.enqueue_dma source(%arg3 : memref<16xi32, #tpu.memory_space<hbm>>) target(%arg9 : memref<16xi32, #tpu.memory_space<vmem>>) target_semaphore(%run_scoped3A : memref<!tpu.dma_semaphore, #tpu.memory_space<semaphore_mem>>)
      tpu.wait_dma2 semaphore(%run_scoped3A : memref<!tpu.dma_semaphore, #tpu.memory_space<semaphore_mem>>) src(%arg3 : memref<16xi32, #tpu.memory_space<hbm>>) dst(%arg9 : memref<16xi32, #tpu.memory_space<vmem>>)
      tpu.yield
    }) : () -> ()
    "tpu.region"() ({
      %run_scoped3A = tpu.sem_alloc : memref<!tpu.dma_semaphore, #tpu.memory_space<semaphore_mem>>
      tpu.enqueue_dma source(%arg4 : memref<16384xf32, #tpu.memory_space<hbm>>) target(%arg6 : memref<16384xf32, #tpu.memory_space<vmem>>) target_semaphore(%run_scoped3A : memref<!tpu.dma_semaphore, #tpu.memory_space<semaphore_mem>>)
      tpu.wait_dma2 semaphore(%run_scoped3A : memref<!tpu.dma_semaphore, #tpu.memory_space<semaphore_mem>>) src(%arg4 : memref<16384xf32, #tpu.memory_space<hbm>>) dst(%arg6 : memref<16384xf32, #tpu.memory_space<vmem>>)
      tpu.yield
    }) : () -> ()
    %get3A = arith.constant 0 : index
    %get3A_3 = tpu.vector_load %arg9[%get3A] {strides = array<i32>} : memref<16xi32, #tpu.memory_space<vmem>>, vector<16xi32>,
    %mul3A_4 = arith.constant 32 : i32
    %mul3A_5 = vector.broadcast %mul3A_4 : i32 to vector<16xi32>
    %mul3A_6 = arith.muli %get3A_3, %mul3A_5 : vector<16xi32>
    %iota3A = tpu.iota {dimensions = array<i32: 0>} : vector<16xi32>
    %add3A_7 = arith.addi %mul3A_6, %iota3A : vector<16xi32>
    %broadcast_in_dim3A = arith.constant 0 : i32
    %broadcast_in_dim3A_8 = vector.broadcast %broadcast_in_dim3A : i32 to vector<16xi32>
    %broadcast_in_dim3A_9 = arith.constant 16 : i32
    %broadcast_in_dim3A_10 = vector.broadcast %broadcast_in_dim3A_9 : i32 to vector<16xi32>
    %dma_start3A = arith.constant 0 : i32
    %dma_start3A_11 = arith.constant 0 : i32
    %dma_start3A_12 = tpu.memref_slice %arg7[%dma_start3A, %dma_start3A_11] : memref<2x1024xi32, #tpu.memory_space<vmem>> -> memref<1x1024xi32, #tpu.memory_space<vmem>>
    %dma_start3A_13 = tpu.memref_squeeze %dma_start3A_12 : memref<1x1024xi32, #tpu.memory_space<vmem>> -> memref<1024xi32, #tpu.memory_space<vmem>>
    %dma_start3A_14 = tpu.memref_slice %arg2[%mul3A_2] : memref<4194304xi32, #tpu.memory_space<hbm>> -> memref<1024xi32, #tpu.memory_space<hbm>>
    %dma_start3A_15 = arith.constant 0 : i32
    %dma_start3A_16 = tpu.memref_slice %arg7[%dma_start3A, %dma_start3A_15] : memref<2x1024xi32, #tpu.memory_space<vmem>> -> memref<1x1024xi32, #tpu.memory_space<vmem>>
    %dma_start3A_17 = tpu.memref_squeeze %dma_start3A_16 : memref<1x1024xi32, #tpu.memory_space<vmem>> -> memref<1024xi32, #tpu.memory_space<vmem>>
    %dma_start3A_18 = tpu.memref_slice %arg2[%mul3A_2] : memref<4194304xi32, #tpu.memory_space<hbm>> -> memref<1024xi32, #tpu.memory_space<hbm>>
    tpu.enqueue_dma source(%dma_start3A_18 : memref<1024xi32, #tpu.memory_space<hbm>>) target(%dma_start3A_17 : memref<1024xi32, #tpu.memory_space<vmem>>) target_semaphore(%arg10 : memref<!tpu.dma_semaphore, #tpu.memory_space<semaphore_mem>>)
    %add3A_19 = arith.constant 1024 : i32
    %add3A_20 = arith.addi %mul3A_2, %add3A_19 : i32
    %dma_start3A_21 = arith.constant 1 : i32
    %dma_start3A_22 = arith.constant 0 : i32
    %dma_start3A_23 = tpu.memref_slice %arg7[%dma_start3A_21, %dma_start3A_22] : memref<2x1024xi32, #tpu.memory_space<vmem>> -> memref<1x1024xi32, #tpu.memory_space<vmem>>
    %dma_start3A_24 = tpu.memref_squeeze %dma_start3A_23 : memref<1x1024xi32, #tpu.memory_space<vmem>> -> memref<1024xi32, #tpu.memory_space<vmem>>
    %dma_start3A_25 = tpu.memref_slice %arg2[%add3A_20] : memref<4194304xi32, #tpu.memory_space<hbm>> -> memref<1024xi32, #tpu.memory_space<hbm>>
    %dma_start3A_26 = arith.constant 0 : i32
    %dma_start3A_27 = tpu.memref_slice %arg7[%dma_start3A_21, %dma_start3A_26] : memref<2x1024xi32, #tpu.memory_space<vmem>> -> memref<1x1024xi32, #tpu.memory_space<vmem>>
    %dma_start3A_28 = tpu.memref_squeeze %dma_start3A_27 : memref<1x1024xi32, #tpu.memory_space<vmem>> -> memref<1024xi32, #tpu.memory_space<vmem>>
    %dma_start3A_29 = tpu.memref_slice %arg2[%add3A_20] : memref<4194304xi32, #tpu.memory_space<hbm>> -> memref<1024xi32, #tpu.memory_space<hbm>>
    tpu.enqueue_dma source(%dma_start3A_29 : memref<1024xi32, #tpu.memory_space<hbm>>) target(%dma_start3A_28 : memref<1024xi32, #tpu.memory_space<vmem>>) target_semaphore(%arg11 : memref<!tpu.dma_semaphore, #tpu.memory_space<semaphore_mem>>)
    %scan3A = arith.constant 0 : i32
    %scan3A_30 = arith.constant 64 : i32
    %scan3A_31 = arith.addi %scan3A, %scan3A_30 : i32
    %scan3A_32 = arith.constant 1 : i32
    scf.for %scan3A_59 = %scan3A to %scan3A_31 step %scan3A_32  : i32 {
      %mul3A_60 = arith.constant 2 : i32
      %mul3A_61 = arith.muli %scan3A_59, %mul3A_60 : i32
      %add3A_62 = arith.constant 0 : i32
      %add3A_63 = arith.addi %mul3A_61, %add3A_62 : i32
      %mul3A_64 = arith.constant 1024 : i32
      %mul3A_65 = arith.muli %add3A_63, %mul3A_64 : i32
      %add3A_66 = arith.addi %mul3A_2, %mul3A_65 : i32
      %mul3A_67 = arith.constant 32 : i32
      %mul3A_68 = arith.muli %add3A_66, %mul3A_67 : i32
      %ge3A = arith.constant 1 : i32
      %ge3A_69 = arith.cmpi sge, %scan3A_59, %ge3A : i32
      %convert_element_type3A = arith.extui %ge3A_69 : i1 to i32
      %cond3A = arith.constant 0 : i32
      %cond3A_70 = arith.constant 0 : i32
      %cond3A_71 = arith.cmpi ne, %convert_element_type3A, %cond3A_70 : i32
      scf.if %cond3A_71 {
        %dma_wait3A_146 = arith.constant 0 : i32
        %dma_wait3A_147 = tpu.memref_slice %arg8[%cond3A, %dma_wait3A_146] : memref<2x32768xf32, #tpu.memory_space<vmem>> -> memref<1x32768xf32, #tpu.memory_space<vmem>>
        %dma_wait3A_148 = tpu.memref_squeeze %dma_wait3A_147 : memref<1x32768xf32, #tpu.memory_space<vmem>> -> memref<32768xf32, #tpu.memory_space<vmem>>
        %dma_wait3A_149 = tpu.memref_slice %arg5[%mul3A_68] : memref<134217728xf32, #tpu.memory_space<hbm>> -> memref<32768xf32, #tpu.memory_space<hbm>>
        %dma_wait3A_150 = tpu.memref_slice %arg5[%mul3A_68] : memref<134217728xf32, #tpu.memory_space<hbm>> -> memref<32768xf32, #tpu.memory_space<hbm>>
        %dma_wait3A_151 = arith.constant 0 : i32
        %dma_wait3A_152 = tpu.memref_slice %arg8[%cond3A, %dma_wait3A_151] : memref<2x32768xf32, #tpu.memory_space<vmem>> -> memref<1x32768xf32, #tpu.memory_space<vmem>>
        %dma_wait3A_153 = tpu.memref_squeeze %dma_wait3A_152 : memref<1x32768xf32, #tpu.memory_space<vmem>> -> memref<32768xf32, #tpu.memory_space<vmem>>
        tpu.wait_dma2 semaphore(%arg12 : memref<!tpu.dma_semaphore, #tpu.memory_space<semaphore_mem>>) src(%dma_wait3A_153 : memref<32768xf32, #tpu.memory_space<vmem>>) dst(%dma_wait3A_150 : memref<32768xf32, #tpu.memory_space<hbm>>)
      } else {
      }
      %dma_wait3A_72 = arith.constant 0 : i32
      %dma_wait3A_73 = arith.constant 0 : i32
      %dma_wait3A_74 = tpu.memref_slice %arg7[%dma_wait3A_72, %dma_wait3A_73] : memref<2x1024xi32, #tpu.memory_space<vmem>> -> memref<1x1024xi32, #tpu.memory_space<vmem>>
      %dma_wait3A_75 = tpu.memref_squeeze %dma_wait3A_74 : memref<1x1024xi32, #tpu.memory_space<vmem>> -> memref<1024xi32, #tpu.memory_space<vmem>>
      %dma_wait3A_76 = tpu.memref_slice %arg2[%add3A_66] : memref<4194304xi32, #tpu.memory_space<hbm>> -> memref<1024xi32, #tpu.memory_space<hbm>>
      %dma_wait3A_77 = arith.constant 0 : i32
      %dma_wait3A_78 = tpu.memref_slice %arg7[%dma_wait3A_72, %dma_wait3A_77] : memref<2x1024xi32, #tpu.memory_space<vmem>> -> memref<1x1024xi32, #tpu.memory_space<vmem>>
      %dma_wait3A_79 = tpu.memref_squeeze %dma_wait3A_78 : memref<1x1024xi32, #tpu.memory_space<vmem>> -> memref<1024xi32, #tpu.memory_space<vmem>>
      %dma_wait3A_80 = tpu.memref_slice %arg2[%add3A_66] : memref<4194304xi32, #tpu.memory_space<hbm>> -> memref<1024xi32, #tpu.memory_space<hbm>>
      tpu.wait_dma2 semaphore(%arg10 : memref<!tpu.dma_semaphore, #tpu.memory_space<semaphore_mem>>) src(%dma_wait3A_80 : memref<1024xi32, #tpu.memory_space<hbm>>) dst(%dma_wait3A_79 : memref<1024xi32, #tpu.memory_space<vmem>>)
      %scan3A_81 = arith.constant 0 : i32
      %scan3A_82 = arith.constant 0 : i32
      %scan3A_83 = arith.constant 0 : i32
      %scan3A_84 = arith.constant 64 : i32
      %scan3A_85 = arith.addi %scan3A_83, %scan3A_84 : i32
      %scan3A_86 = arith.constant 1 : i32
      scf.for %scan3A_146 = %scan3A_83 to %scan3A_85 step %scan3A_86  : i32 {
        %mul3A_147 = arith.constant 16 : i32
        %mul3A_148 = arith.muli %scan3A_146, %mul3A_147 : i32
        %add3A_149 = vector.broadcast %mul3A_148 : i32 to vector<16xi32>
        %add3A_150 = arith.addi %add3A_149, %iota3A : vector<16xi32>
        %gather3A = arith.constant 0 : i32
        %gather3A_151 = tpu.memref_slice %arg7[%scan3A_81, %gather3A] : memref<2x1024xi32, #tpu.memory_space<vmem>> -> memref<1x1024xi32, #tpu.memory_space<vmem>>
        %gather3A_152 = tpu.memref_squeeze %gather3A_151 : memref<1x1024xi32, #tpu.memory_space<vmem>> -> memref<1024xi32, #tpu.memory_space<vmem>>
        %gather3A_153 = tpu.vector_load_idx %gather3A_152[%add3A_150] : memref<1024xi32, #tpu.memory_space<vmem>>[vector<16xi32>], vector<16xi32>,
        %broadcast_in_dim3A_154 = arith.constant 0 : i32
        %broadcast_in_dim3A_155 = vector.broadcast %broadcast_in_dim3A_154 : i32 to vector<16xi32>
        %broadcast_in_dim3A_156 = vector.shape_cast %broadcast_in_dim3A_155 : vector<16xi32> to vector<16x1xi32>
        %gather3A_157 = vector.shape_cast %broadcast_in_dim3A_156 : vector<16x1xi32> to vector<16xi32>
        %gather3A_158 = tpu.dynamic_gather %gather3A_153[%gather3A_157] in [0] : vector<16xi32>, vector<16xi32> -> vector<16xi32>
        %mul3A_159 = arith.constant 32 : i32
        %mul3A_160 = vector.broadcast %mul3A_159 : i32 to vector<16xi32>
        %mul3A_161 = arith.muli %gather3A_158, %mul3A_160 : vector<16xi32>
        %add3A_162 = arith.addi %mul3A_161, %add3A_7 : vector<16xi32>
        %add3A_163 = arith.addi %add3A_162, %broadcast_in_dim3A_8 : vector<16xi32>
        %gather3A_164 = tpu.vector_load_idx %arg6[%add3A_163] : memref<16384xf32, #tpu.memory_space<vmem>>[vector<16xi32>], vector<16xf32>,
        %add3A_165 = arith.addi %add3A_162, %broadcast_in_dim3A_10 : vector<16xi32>
        %gather3A_166 = tpu.vector_load_idx %arg6[%add3A_165] : memref<16384xf32, #tpu.memory_space<vmem>>[vector<16xi32>], vector<16xf32>,
        %broadcast_in_dim3A_167 = arith.constant 1 : i32
        %broadcast_in_dim3A_168 = vector.broadcast %broadcast_in_dim3A_167 : i32 to vector<16xi32>
        %broadcast_in_dim3A_169 = vector.shape_cast %broadcast_in_dim3A_168 : vector<16xi32> to vector<16x1xi32>
        %gather3A_170 = vector.shape_cast %broadcast_in_dim3A_169 : vector<16x1xi32> to vector<16xi32>
        %gather3A_171 = tpu.dynamic_gather %gather3A_153[%gather3A_170] in [0] : vector<16xi32>, vector<16xi32> -> vector<16xi32>
        %mul3A_172 = arith.constant 32 : i32
        %mul3A_173 = vector.broadcast %mul3A_172 : i32 to vector<16xi32>
        %mul3A_174 = arith.muli %gather3A_171, %mul3A_173 : vector<16xi32>
        %add3A_175 = arith.addi %mul3A_174, %add3A_7 : vector<16xi32>
        %add3A_176 = arith.addi %add3A_175, %broadcast_in_dim3A_8 : vector<16xi32>
        %gather3A_177 = tpu.vector_load_idx %arg6[%add3A_176] : memref<16384xf32, #tpu.memory_space<vmem>>[vector<16xi32>], vector<16xf32>,
        %add3A_178 = arith.addi %add3A_175, %broadcast_in_dim3A_10 : vector<16xi32>
        %gather3A_179 = tpu.vector_load_idx %arg6[%add3A_178] : memref<16384xf32, #tpu.memory_space<vmem>>[vector<16xi32>], vector<16xf32>,
        %broadcast_in_dim3A_180 = arith.constant 2 : i32
        %broadcast_in_dim3A_181 = vector.broadcast %broadcast_in_dim3A_180 : i32 to vector<16xi32>
        %broadcast_in_dim3A_182 = vector.shape_cast %broadcast_in_dim3A_181 : vector<16xi32> to vector<16x1xi32>
        %gather3A_183 = vector.shape_cast %broadcast_in_dim3A_182 : vector<16x1xi32> to vector<16xi32>
        %gather3A_184 = tpu.dynamic_gather %gather3A_153[%gather3A_183] in [0] : vector<16xi32>, vector<16xi32> -> vector<16xi32>
        %mul3A_185 = arith.constant 32 : i32
        %mul3A_186 = vector.broadcast %mul3A_185 : i32 to vector<16xi32>
        %mul3A_187 = arith.muli %gather3A_184, %mul3A_186 : vector<16xi32>
        %add3A_188 = arith.addi %mul3A_187, %add3A_7 : vector<16xi32>
        %add3A_189 = arith.addi %add3A_188, %broadcast_in_dim3A_8 : vector<16xi32>
        %gather3A_190 = tpu.vector_load_idx %arg6[%add3A_189] : memref<16384xf32, #tpu.memory_space<vmem>>[vector<16xi32>], vector<16xf32>,
        %add3A_191 = arith.addi %add3A_188, %broadcast_in_dim3A_10 : vector<16xi32>
        %gather3A_192 = tpu.vector_load_idx %arg6[%add3A_191] : memref<16384xf32, #tpu.memory_space<vmem>>[vector<16xi32>], vector<16xf32>,
        %broadcast_in_dim3A_193 = arith.constant 3 : i32
        %broadcast_in_dim3A_194 = vector.broadcast %broadcast_in_dim3A_193 : i32 to vector<16xi32>
        %broadcast_in_dim3A_195 = vector.shape_cast %broadcast_in_dim3A_194 : vector<16xi32> to vector<16x1xi32>
        %gather3A_196 = vector.shape_cast %broadcast_in_dim3A_195 : vector<16x1xi32> to vector<16xi32>
        %gather3A_197 = tpu.dynamic_gather %gather3A_153[%gather3A_196] in [0] : vector<16xi32>, vector<16xi32> -> vector<16xi32>
        %mul3A_198 = arith.constant 32 : i32
        %mul3A_199 = vector.broadcast %mul3A_198 : i32 to vector<16xi32>
        %mul3A_200 = arith.muli %gather3A_197, %mul3A_199 : vector<16xi32>
        %add3A_201 = arith.addi %mul3A_200, %add3A_7 : vector<16xi32>
        %add3A_202 = arith.addi %add3A_201, %broadcast_in_dim3A_8 : vector<16xi32>
        %gather3A_203 = tpu.vector_load_idx %arg6[%add3A_202] : memref<16384xf32, #tpu.memory_space<vmem>>[vector<16xi32>], vector<16xf32>,
        %add3A_204 = arith.addi %add3A_201, %broadcast_in_dim3A_10 : vector<16xi32>
        %gather3A_205 = tpu.vector_load_idx %arg6[%add3A_204] : memref<16384xf32, #tpu.memory_space<vmem>>[vector<16xi32>], vector<16xf32>,
        %broadcast_in_dim3A_206 = arith.constant 4 : i32
        %broadcast_in_dim3A_207 = vector.broadcast %broadcast_in_dim3A_206 : i32 to vector<16xi32>
        %broadcast_in_dim3A_208 = vector.shape_cast %broadcast_in_dim3A_207 : vector<16xi32> to vector<16x1xi32>
        %gather3A_209 = vector.shape_cast %broadcast_in_dim3A_208 : vector<16x1xi32> to vector<16xi32>
        %gather3A_210 = tpu.dynamic_gather %gather3A_153[%gather3A_209] in [0] : vector<16xi32>, vector<16xi32> -> vector<16xi32>
        %mul3A_211 = arith.constant 32 : i32
        %mul3A_212 = vector.broadcast %mul3A_211 : i32 to vector<16xi32>
        %mul3A_213 = arith.muli %gather3A_210, %mul3A_212 : vector<16xi32>
        %add3A_214 = arith.addi %mul3A_213, %add3A_7 : vector<16xi32>
        %add3A_215 = arith.addi %add3A_214, %broadcast_in_dim3A_8 : vector<16xi32>
        %gather3A_216 = tpu.vector_load_idx %arg6[%add3A_215] : memref<16384xf32, #tpu.memory_space<vmem>>[vector<16xi32>], vector<16xf32>,
        %add3A_217 = arith.addi %add3A_214, %broadcast_in_dim3A_10 : vector<16xi32>
        %gather3A_218 = tpu.vector_load_idx %arg6[%add3A_217] : memref<16384xf32, #tpu.memory_space<vmem>>[vector<16xi32>], vector<16xf32>,
        %broadcast_in_dim3A_219 = arith.constant 5 : i32
        %broadcast_in_dim3A_220 = vector.broadcast %broadcast_in_dim3A_219 : i32 to vector<16xi32>
        %broadcast_in_dim3A_221 = vector.shape_cast %broadcast_in_dim3A_220 : vector<16xi32> to vector<16x1xi32>
        %gather3A_222 = vector.shape_cast %broadcast_in_dim3A_221 : vector<16x1xi32> to vector<16xi32>
        %gather3A_223 = tpu.dynamic_gather %gather3A_153[%gather3A_222] in [0] : vector<16xi32>, vector<16xi32> -> vector<16xi32>
        %mul3A_224 = arith.constant 32 : i32
        %mul3A_225 = vector.broadcast %mul3A_224 : i32 to vector<16xi32>
        %mul3A_226 = arith.muli %gather3A_223, %mul3A_225 : vector<16xi32>
        %add3A_227 = arith.addi %mul3A_226, %add3A_7 : vector<16xi32>
        %add3A_228 = arith.addi %add3A_227, %broadcast_in_dim3A_8 : vector<16xi32>
        %gather3A_229 = tpu.vector_load_idx %arg6[%add3A_228] : memref<16384xf32, #tpu.memory_space<vmem>>[vector<16xi32>], vector<16xf32>,
        %add3A_230 = arith.addi %add3A_227, %broadcast_in_dim3A_10 : vector<16xi32>
        %gather3A_231 = tpu.vector_load_idx %arg6[%add3A_230] : memref<16384xf32, #tpu.memory_space<vmem>>[vector<16xi32>], vector<16xf32>,
        %broadcast_in_dim3A_232 = arith.constant 6 : i32
        %broadcast_in_dim3A_233 = vector.broadcast %broadcast_in_dim3A_232 : i32 to vector<16xi32>
        %broadcast_in_dim3A_234 = vector.shape_cast %broadcast_in_dim3A_233 : vector<16xi32> to vector<16x1xi32>
        %gather3A_235 = vector.shape_cast %broadcast_in_dim3A_234 : vector<16x1xi32> to vector<16xi32>
        %gather3A_236 = tpu.dynamic_gather %gather3A_153[%gather3A_235] in [0] : vector<16xi32>, vector<16xi32> -> vector<16xi32>
        %mul3A_237 = arith.constant 32 : i32
        %mul3A_238 = vector.broadcast %mul3A_237 : i32 to vector<16xi32>
        %mul3A_239 = arith.muli %gather3A_236, %mul3A_238 : vector<16xi32>
        %add3A_240 = arith.addi %mul3A_239, %add3A_7 : vector<16xi32>
        %add3A_241 = arith.addi %add3A_240, %broadcast_in_dim3A_8 : vector<16xi32>
        %gather3A_242 = tpu.vector_load_idx %arg6[%add3A_241] : memref<16384xf32, #tpu.memory_space<vmem>>[vector<16xi32>], vector<16xf32>,
        %add3A_243 = arith.addi %add3A_240, %broadcast_in_dim3A_10 : vector<16xi32>
        %gather3A_244 = tpu.vector_load_idx %arg6[%add3A_243] : memref<16384xf32, #tpu.memory_space<vmem>>[vector<16xi32>], vector<16xf32>,
        %broadcast_in_dim3A_245 = arith.constant 7 : i32
        %broadcast_in_dim3A_246 = vector.broadcast %broadcast_in_dim3A_245 : i32 to vector<16xi32>
        %broadcast_in_dim3A_247 = vector.shape_cast %broadcast_in_dim3A_246 : vector<16xi32> to vector<16x1xi32>
        %gather3A_248 = vector.shape_cast %broadcast_in_dim3A_247 : vector<16x1xi32> to vector<16xi32>
        %gather3A_249 = tpu.dynamic_gather %gather3A_153[%gather3A_248] in [0] : vector<16xi32>, vector<16xi32> -> vector<16xi32>
        %mul3A_250 = arith.constant 32 : i32
        %mul3A_251 = vector.broadcast %mul3A_250 : i32 to vector<16xi32>
        %mul3A_252 = arith.muli %gather3A_249, %mul3A_251 : vector<16xi32>
        %add3A_253 = arith.addi %mul3A_252, %add3A_7 : vector<16xi32>
        %add3A_254 = arith.addi %add3A_253, %broadcast_in_dim3A_8 : vector<16xi32>
        %gather3A_255 = tpu.vector_load_idx %arg6[%add3A_254] : memref<16384xf32, #tpu.memory_space<vmem>>[vector<16xi32>], vector<16xf32>,
        %add3A_256 = arith.addi %add3A_253, %broadcast_in_dim3A_10 : vector<16xi32>
        %gather3A_257 = tpu.vector_load_idx %arg6[%add3A_256] : memref<16384xf32, #tpu.memory_space<vmem>>[vector<16xi32>], vector<16xf32>,
        %broadcast_in_dim3A_258 = arith.constant 8 : i32
        %broadcast_in_dim3A_259 = vector.broadcast %broadcast_in_dim3A_258 : i32 to vector<16xi32>
        %broadcast_in_dim3A_260 = vector.shape_cast %broadcast_in_dim3A_259 : vector<16xi32> to vector<16x1xi32>
        %gather3A_261 = vector.shape_cast %broadcast_in_dim3A_260 : vector<16x1xi32> to vector<16xi32>
        %gather3A_262 = tpu.dynamic_gather %gather3A_153[%gather3A_261] in [0] : vector<16xi32>, vector<16xi32> -> vector<16xi32>
        %mul3A_263 = arith.constant 32 : i32
        %mul3A_264 = vector.broadcast %mul3A_263 : i32 to vector<16xi32>
        %mul3A_265 = arith.muli %gather3A_262, %mul3A_264 : vector<16xi32>
        %add3A_266 = arith.addi %mul3A_265, %add3A_7 : vector<16xi32>
        %add3A_267 = arith.addi %add3A_266, %broadcast_in_dim3A_8 : vector<16xi32>
        %gather3A_268 = tpu.vector_load_idx %arg6[%add3A_267] : memref<16384xf32, #tpu.memory_space<vmem>>[vector<16xi32>], vector<16xf32>,
        %add3A_269 = arith.addi %add3A_266, %broadcast_in_dim3A_10 : vector<16xi32>
        %gather3A_270 = tpu.vector_load_idx %arg6[%add3A_269] : memref<16384xf32, #tpu.memory_space<vmem>>[vector<16xi32>], vector<16xf32>,
        %broadcast_in_dim3A_271 = arith.constant 9 : i32
        %broadcast_in_dim3A_272 = vector.broadcast %broadcast_in_dim3A_271 : i32 to vector<16xi32>
        %broadcast_in_dim3A_273 = vector.shape_cast %broadcast_in_dim3A_272 : vector<16xi32> to vector<16x1xi32>
        %gather3A_274 = vector.shape_cast %broadcast_in_dim3A_273 : vector<16x1xi32> to vector<16xi32>
        %gather3A_275 = tpu.dynamic_gather %gather3A_153[%gather3A_274] in [0] : vector<16xi32>, vector<16xi32> -> vector<16xi32>
        %mul3A_276 = arith.constant 32 : i32
        %mul3A_277 = vector.broadcast %mul3A_276 : i32 to vector<16xi32>
        %mul3A_278 = arith.muli %gather3A_275, %mul3A_277 : vector<16xi32>
        %add3A_279 = arith.addi %mul3A_278, %add3A_7 : vector<16xi32>
        %add3A_280 = arith.addi %add3A_279, %broadcast_in_dim3A_8 : vector<16xi32>
        %gather3A_281 = tpu.vector_load_idx %arg6[%add3A_280] : memref<16384xf32, #tpu.memory_space<vmem>>[vector<16xi32>], vector<16xf32>,
        %add3A_282 = arith.addi %add3A_279, %broadcast_in_dim3A_10 : vector<16xi32>
        %gather3A_283 = tpu.vector_load_idx %arg6[%add3A_282] : memref<16384xf32, #tpu.memory_space<vmem>>[vector<16xi32>], vector<16xf32>,
        %broadcast_in_dim3A_284 = arith.constant 10 : i32
        %broadcast_in_dim3A_285 = vector.broadcast %broadcast_in_dim3A_284 : i32 to vector<16xi32>
        %broadcast_in_dim3A_286 = vector.shape_cast %broadcast_in_dim3A_285 : vector<16xi32> to vector<16x1xi32>
        %gather3A_287 = vector.shape_cast %broadcast_in_dim3A_286 : vector<16x1xi32> to vector<16xi32>
        %gather3A_288 = tpu.dynamic_gather %gather3A_153[%gather3A_287] in [0] : vector<16xi32>, vector<16xi32> -> vector<16xi32>
        %mul3A_289 = arith.constant 32 : i32
        %mul3A_290 = vector.broadcast %mul3A_289 : i32 to vector<16xi32>
        %mul3A_291 = arith.muli %gather3A_288, %mul3A_290 : vector<16xi32>
        %add3A_292 = arith.addi %mul3A_291, %add3A_7 : vector<16xi32>
        %add3A_293 = arith.addi %add3A_292, %broadcast_in_dim3A_8 : vector<16xi32>
        %gather3A_294 = tpu.vector_load_idx %arg6[%add3A_293] : memref<16384xf32, #tpu.memory_space<vmem>>[vector<16xi32>], vector<16xf32>,
        %add3A_295 = arith.addi %add3A_292, %broadcast_in_dim3A_10 : vector<16xi32>
        %gather3A_296 = tpu.vector_load_idx %arg6[%add3A_295] : memref<16384xf32, #tpu.memory_space<vmem>>[vector<16xi32>], vector<16xf32>,
        %broadcast_in_dim3A_297 = arith.constant 11 : i32
        %broadcast_in_dim3A_298 = vector.broadcast %broadcast_in_dim3A_297 : i32 to vector<16xi32>
        %broadcast_in_dim3A_299 = vector.shape_cast %broadcast_in_dim3A_298 : vector<16xi32> to vector<16x1xi32>
        %gather3A_300 = vector.shape_cast %broadcast_in_dim3A_299 : vector<16x1xi32> to vector<16xi32>
        %gather3A_301 = tpu.dynamic_gather %gather3A_153[%gather3A_300] in [0] : vector<16xi32>, vector<16xi32> -> vector<16xi32>
        %mul3A_302 = arith.constant 32 : i32
        %mul3A_303 = vector.broadcast %mul3A_302 : i32 to vector<16xi32>
        %mul3A_304 = arith.muli %gather3A_301, %mul3A_303 : vector<16xi32>
        %add3A_305 = arith.addi %mul3A_304, %add3A_7 : vector<16xi32>
        %add3A_306 = arith.addi %add3A_305, %broadcast_in_dim3A_8 : vector<16xi32>
        %gather3A_307 = tpu.vector_load_idx %arg6[%add3A_306] : memref<16384xf32, #tpu.memory_space<vmem>>[vector<16xi32>], vector<16xf32>,
        %add3A_308 = arith.addi %add3A_305, %broadcast_in_dim3A_10 : vector<16xi32>
        %gather3A_309 = tpu.vector_load_idx %arg6[%add3A_308] : memref<16384xf32, #tpu.memory_space<vmem>>[vector<16xi32>], vector<16xf32>,
        %broadcast_in_dim3A_310 = arith.constant 12 : i32
        %broadcast_in_dim3A_311 = vector.broadcast %broadcast_in_dim3A_310 : i32 to vector<16xi32>
        %broadcast_in_dim3A_312 = vector.shape_cast %broadcast_in_dim3A_311 : vector<16xi32> to vector<16x1xi32>
        %gather3A_313 = vector.shape_cast %broadcast_in_dim3A_312 : vector<16x1xi32> to vector<16xi32>
        %gather3A_314 = tpu.dynamic_gather %gather3A_153[%gather3A_313] in [0] : vector<16xi32>, vector<16xi32> -> vector<16xi32>
        %mul3A_315 = arith.constant 32 : i32
        %mul3A_316 = vector.broadcast %mul3A_315 : i32 to vector<16xi32>
        %mul3A_317 = arith.muli %gather3A_314, %mul3A_316 : vector<16xi32>
        %add3A_318 = arith.addi %mul3A_317, %add3A_7 : vector<16xi32>
        %add3A_319 = arith.addi %add3A_318, %broadcast_in_dim3A_8 : vector<16xi32>
        %gather3A_320 = tpu.vector_load_idx %arg6[%add3A_319] : memref<16384xf32, #tpu.memory_space<vmem>>[vector<16xi32>], vector<16xf32>,
        %add3A_321 = arith.addi %add3A_318, %broadcast_in_dim3A_10 : vector<16xi32>
        %gather3A_322 = tpu.vector_load_idx %arg6[%add3A_321] : memref<16384xf32, #tpu.memory_space<vmem>>[vector<16xi32>], vector<16xf32>,
        %broadcast_in_dim3A_323 = arith.constant 13 : i32
        %broadcast_in_dim3A_324 = vector.broadcast %broadcast_in_dim3A_323 : i32 to vector<16xi32>
        %broadcast_in_dim3A_325 = vector.shape_cast %broadcast_in_dim3A_324 : vector<16xi32> to vector<16x1xi32>
        %gather3A_326 = vector.shape_cast %broadcast_in_dim3A_325 : vector<16x1xi32> to vector<16xi32>
        %gather3A_327 = tpu.dynamic_gather %gather3A_153[%gather3A_326] in [0] : vector<16xi32>, vector<16xi32> -> vector<16xi32>
        %mul3A_328 = arith.constant 32 : i32
        %mul3A_329 = vector.broadcast %mul3A_328 : i32 to vector<16xi32>
        %mul3A_330 = arith.muli %gather3A_327, %mul3A_329 : vector<16xi32>
        %add3A_331 = arith.addi %mul3A_330, %add3A_7 : vector<16xi32>
        %add3A_332 = arith.addi %add3A_331, %broadcast_in_dim3A_8 : vector<16xi32>
        %gather3A_333 = tpu.vector_load_idx %arg6[%add3A_332] : memref<16384xf32, #tpu.memory_space<vmem>>[vector<16xi32>], vector<16xf32>,
        %add3A_334 = arith.addi %add3A_331, %broadcast_in_dim3A_10 : vector<16xi32>
        %gather3A_335 = tpu.vector_load_idx %arg6[%add3A_334] : memref<16384xf32, #tpu.memory_space<vmem>>[vector<16xi32>], vector<16xf32>,
        %broadcast_in_dim3A_336 = arith.constant 14 : i32
        %broadcast_in_dim3A_337 = vector.broadcast %broadcast_in_dim3A_336 : i32 to vector<16xi32>
        %broadcast_in_dim3A_338 = vector.shape_cast %broadcast_in_dim3A_337 : vector<16xi32> to vector<16x1xi32>
        %gather3A_339 = vector.shape_cast %broadcast_in_dim3A_338 : vector<16x1xi32> to vector<16xi32>
        %gather3A_340 = tpu.dynamic_gather %gather3A_153[%gather3A_339] in [0] : vector<16xi32>, vector<16xi32> -> vector<16xi32>
        %mul3A_341 = arith.constant 32 : i32
        %mul3A_342 = vector.broadcast %mul3A_341 : i32 to vector<16xi32>
        %mul3A_343 = arith.muli %gather3A_340, %mul3A_342 : vector<16xi32>
        %add3A_344 = arith.addi %mul3A_343, %add3A_7 : vector<16xi32>
        %add3A_345 = arith.addi %add3A_344, %broadcast_in_dim3A_8 : vector<16xi32>
        %gather3A_346 = tpu.vector_load_idx %arg6[%add3A_345] : memref<16384xf32, #tpu.memory_space<vmem>>[vector<16xi32>], vector<16xf32>,
        %add3A_347 = arith.addi %add3A_344, %broadcast_in_dim3A_10 : vector<16xi32>
        %gather3A_348 = tpu.vector_load_idx %arg6[%add3A_347] : memref<16384xf32, #tpu.memory_space<vmem>>[vector<16xi32>], vector<16xf32>,
        %broadcast_in_dim3A_349 = arith.constant 15 : i32
        %broadcast_in_dim3A_350 = vector.broadcast %broadcast_in_dim3A_349 : i32 to vector<16xi32>
        %broadcast_in_dim3A_351 = vector.shape_cast %broadcast_in_dim3A_350 : vector<16xi32> to vector<16x1xi32>
        %gather3A_352 = vector.shape_cast %broadcast_in_dim3A_351 : vector<16x1xi32> to vector<16xi32>
        %gather3A_353 = tpu.dynamic_gather %gather3A_153[%gather3A_352] in [0] : vector<16xi32>, vector<16xi32> -> vector<16xi32>
        %mul3A_354 = arith.constant 32 : i32
        %mul3A_355 = vector.broadcast %mul3A_354 : i32 to vector<16xi32>
        %mul3A_356 = arith.muli %gather3A_353, %mul3A_355 : vector<16xi32>
        %add3A_357 = arith.addi %mul3A_356, %add3A_7 : vector<16xi32>
        %add3A_358 = arith.addi %add3A_357, %broadcast_in_dim3A_8 : vector<16xi32>
        %gather3A_359 = tpu.vector_load_idx %arg6[%add3A_358] : memref<16384xf32, #tpu.memory_space<vmem>>[vector<16xi32>], vector<16xf32>,
        %add3A_360 = arith.addi %add3A_357, %broadcast_in_dim3A_10 : vector<16xi32>
        %gather3A_361 = tpu.vector_load_idx %arg6[%add3A_360] : memref<16384xf32, #tpu.memory_space<vmem>>[vector<16xi32>], vector<16xf32>,
        %mul3A_362 = arith.constant 512 : i32
        %mul3A_363 = arith.muli %scan3A_146, %mul3A_362 : i32
        %add3A_364 = arith.constant 0 : i32
        %add3A_365 = arith.addi %mul3A_363, %add3A_364 : i32
        %swap3A = arith.constant 0 : i32
        %swap3A_366 = tpu.memref_slice %arg8[%scan3A_82, %swap3A] : memref<2x32768xf32, #tpu.memory_space<vmem>> -> memref<1x32768xf32, #tpu.memory_space<vmem>>
        %swap3A_367 = tpu.memref_squeeze %swap3A_366 : memref<1x32768xf32, #tpu.memory_space<vmem>> -> memref<32768xf32, #tpu.memory_space<vmem>>
        %swap3A_368 = arith.index_cast %add3A_365 : i32 to index
        %swap3A_369 = tpu.vector_load %swap3A_367[%swap3A_368] {strides = array<i32>} : memref<32768xf32, #tpu.memory_space<vmem>>, vector<16xf32>,
        tpu.vector_store %swap3A_367[%swap3A_368], %gather3A_164 {strides = array<i32>} : memref<32768xf32, #tpu.memory_space<vmem>>, vector<16xf32>,
        %add3A_370 = arith.constant 16 : i32
        %add3A_371 = arith.addi %mul3A_363, %add3A_370 : i32
        %swap3A_372 = arith.constant 0 : i32
        %swap3A_373 = tpu.memref_slice %arg8[%scan3A_82, %swap3A_372] : memref<2x32768xf32, #tpu.memory_space<vmem>> -> memref<1x32768xf32, #tpu.memory_space<vmem>>
        %swap3A_374 = tpu.memref_squeeze %swap3A_373 : memref<1x32768xf32, #tpu.memory_space<vmem>> -> memref<32768xf32, #tpu.memory_space<vmem>>
        %swap3A_375 = arith.index_cast %add3A_371 : i32 to index
        %swap3A_376 = tpu.vector_load %swap3A_374[%swap3A_375] {strides = array<i32>} : memref<32768xf32, #tpu.memory_space<vmem>>, vector<16xf32>,
        tpu.vector_store %swap3A_374[%swap3A_375], %gather3A_166 {strides = array<i32>} : memref<32768xf32, #tpu.memory_space<vmem>>, vector<16xf32>,
        %add3A_377 = arith.constant 32 : i32
        %add3A_378 = arith.addi %mul3A_363, %add3A_377 : i32
        %swap3A_379 = arith.constant 0 : i32
        %swap3A_380 = tpu.memref_slice %arg8[%scan3A_82, %swap3A_379] : memref<2x32768xf32, #tpu.memory_space<vmem>> -> memref<1x32768xf32, #tpu.memory_space<vmem>>
        %swap3A_381 = tpu.memref_squeeze %swap3A_380 : memref<1x32768xf32, #tpu.memory_space<vmem>> -> memref<32768xf32, #tpu.memory_space<vmem>>
        %swap3A_382 = arith.index_cast %add3A_378 : i32 to index
        %swap3A_383 = tpu.vector_load %swap3A_381[%swap3A_382] {strides = array<i32>} : memref<32768xf32, #tpu.memory_space<vmem>>, vector<16xf32>,
        tpu.vector_store %swap3A_381[%swap3A_382], %gather3A_177 {strides = array<i32>} : memref<32768xf32, #tpu.memory_space<vmem>>, vector<16xf32>,
        %add3A_384 = arith.constant 48 : i32
        %add3A_385 = arith.addi %mul3A_363, %add3A_384 : i32
        %swap3A_386 = arith.constant 0 : i32
        %swap3A_387 = tpu.memref_slice %arg8[%scan3A_82, %swap3A_386] : memref<2x32768xf32, #tpu.memory_space<vmem>> -> memref<1x32768xf32, #tpu.memory_space<vmem>>
        %swap3A_388 = tpu.memref_squeeze %swap3A_387 : memref<1x32768xf32, #tpu.memory_space<vmem>> -> memref<32768xf32, #tpu.memory_space<vmem>>
        %swap3A_389 = arith.index_cast %add3A_385 : i32 to index
        %swap3A_390 = tpu.vector_load %swap3A_388[%swap3A_389] {strides = array<i32>} : memref<32768xf32, #tpu.memory_space<vmem>>, vector<16xf32>,
        tpu.vector_store %swap3A_388[%swap3A_389], %gather3A_179 {strides = array<i32>} : memref<32768xf32, #tpu.memory_space<vmem>>, vector<16xf32>,
        %add3A_391 = arith.constant 64 : i32
        %add3A_392 = arith.addi %mul3A_363, %add3A_391 : i32
        %swap3A_393 = arith.constant 0 : i32
        %swap3A_394 = tpu.memref_slice %arg8[%scan3A_82, %swap3A_393] : memref<2x32768xf32, #tpu.memory_space<vmem>> -> memref<1x32768xf32, #tpu.memory_space<vmem>>
        %swap3A_395 = tpu.memref_squeeze %swap3A_394 : memref<1x32768xf32, #tpu.memory_space<vmem>> -> memref<32768xf32, #tpu.memory_space<vmem>>
        %swap3A_396 = arith.index_cast %add3A_392 : i32 to index
        %swap3A_397 = tpu.vector_load %swap3A_395[%swap3A_396] {strides = array<i32>} : memref<32768xf32, #tpu.memory_space<vmem>>, vector<16xf32>,
        tpu.vector_store %swap3A_395[%swap3A_396], %gather3A_190 {strides = array<i32>} : memref<32768xf32, #tpu.memory_space<vmem>>, vector<16xf32>,
        %add3A_398 = arith.constant 80 : i32
        %add3A_399 = arith.addi %mul3A_363, %add3A_398 : i32
        %swap3A_400 = arith.constant 0 : i32
        %swap3A_401 = tpu.memref_slice %arg8[%scan3A_82, %swap3A_400] : memref<2x32768xf32, #tpu.memory_space<vmem>> -> memref<1x32768xf32, #tpu.memory_space<vmem>>
        %swap3A_402 = tpu.memref_squeeze %swap3A_401 : memref<1x32768xf32, #tpu.memory_space<vmem>> -> memref<32768xf32, #tpu.memory_space<vmem>>
        %swap3A_403 = arith.index_cast %add3A_399 : i32 to index
        %swap3A_404 = tpu.vector_load %swap3A_402[%swap3A_403] {strides = array<i32>} : memref<32768xf32, #tpu.memory_space<vmem>>, vector<16xf32>,
        tpu.vector_store %swap3A_402[%swap3A_403], %gather3A_192 {strides = array<i32>} : memref<32768xf32, #tpu.memory_space<vmem>>, vector<16xf32>,
        %add3A_405 = arith.constant 96 : i32
        %add3A_406 = arith.addi %mul3A_363, %add3A_405 : i32
        %swap3A_407 = arith.constant 0 : i32
        %swap3A_408 = tpu.memref_slice %arg8[%scan3A_82, %swap3A_407] : memref<2x32768xf32, #tpu.memory_space<vmem>> -> memref<1x32768xf32, #tpu.memory_space<vmem>>
        %swap3A_409 = tpu.memref_squeeze %swap3A_408 : memref<1x32768xf32, #tpu.memory_space<vmem>> -> memref<32768xf32, #tpu.memory_space<vmem>>
        %swap3A_410 = arith.index_cast %add3A_406 : i32 to index
        %swap3A_411 = tpu.vector_load %swap3A_409[%swap3A_410] {strides = array<i32>} : memref<32768xf32, #tpu.memory_space<vmem>>, vector<16xf32>,
        tpu.vector_store %swap3A_409[%swap3A_410], %gather3A_203 {strides = array<i32>} : memref<32768xf32, #tpu.memory_space<vmem>>, vector<16xf32>,
        %add3A_412 = arith.constant 112 : i32
        %add3A_413 = arith.addi %mul3A_363, %add3A_412 : i32
        %swap3A_414 = arith.constant 0 : i32
        %swap3A_415 = tpu.memref_slice %arg8[%scan3A_82, %swap3A_414] : memref<2x32768xf32, #tpu.memory_space<vmem>> -> memref<1x32768xf32, #tpu.memory_space<vmem>>
        %swap3A_416 = tpu.memref_squeeze %swap3A_415 : memref<1x32768xf32, #tpu.memory_space<vmem>> -> memref<32768xf32, #tpu.memory_space<vmem>>
        %swap3A_417 = arith.index_cast %add3A_413 : i32 to index
        %swap3A_418 = tpu.vector_load %swap3A_416[%swap3A_417] {strides = array<i32>} : memref<32768xf32, #tpu.memory_space<vmem>>, vector<16xf32>,
        tpu.vector_store %swap3A_416[%swap3A_417], %gather3A_205 {strides = array<i32>} : memref<32768xf32, #tpu.memory_space<vmem>>, vector<16xf32>,
        %add3A_419 = arith.constant 128 : i32
        %add3A_420 = arith.addi %mul3A_363, %add3A_419 : i32
        %swap3A_421 = arith.constant 0 : i32
        %swap3A_422 = tpu.memref_slice %arg8[%scan3A_82, %swap3A_421] : memref<2x32768xf32, #tpu.memory_space<vmem>> -> memref<1x32768xf32, #tpu.memory_space<vmem>>
        %swap3A_423 = tpu.memref_squeeze %swap3A_422 : memref<1x32768xf32, #tpu.memory_space<vmem>> -> memref<32768xf32, #tpu.memory_space<vmem>>
        %swap3A_424 = arith.index_cast %add3A_420 : i32 to index
        %swap3A_425 = tpu.vector_load %swap3A_423[%swap3A_424] {strides = array<i32>} : memref<32768xf32, #tpu.memory_space<vmem>>, vector<16xf32>,
        tpu.vector_store %swap3A_423[%swap3A_424], %gather3A_216 {strides = array<i32>} : memref<32768xf32, #tpu.memory_space<vmem>>, vector<16xf32>,
        %add3A_426 = arith.constant 144 : i32
        %add3A_427 = arith.addi %mul3A_363, %add3A_426 : i32
        %swap3A_428 = arith.constant 0 : i32
        %swap3A_429 = tpu.memref_slice %arg8[%scan3A_82, %swap3A_428] : memref<2x32768xf32, #tpu.memory_space<vmem>> -> memref<1x32768xf32, #tpu.memory_space<vmem>>
        %swap3A_430 = tpu.memref_squeeze %swap3A_429 : memref<1x32768xf32, #tpu.memory_space<vmem>> -> memref<32768xf32, #tpu.memory_space<vmem>>
        %swap3A_431 = arith.index_cast %add3A_427 : i32 to index
        %swap3A_432 = tpu.vector_load %swap3A_430[%swap3A_431] {strides = array<i32>} : memref<32768xf32, #tpu.memory_space<vmem>>, vector<16xf32>,
        tpu.vector_store %swap3A_430[%swap3A_431], %gather3A_218 {strides = array<i32>} : memref<32768xf32, #tpu.memory_space<vmem>>, vector<16xf32>,
        %add3A_433 = arith.constant 160 : i32
        %add3A_434 = arith.addi %mul3A_363, %add3A_433 : i32
        %swap3A_435 = arith.constant 0 : i32
        %swap3A_436 = tpu.memref_slice %arg8[%scan3A_82, %swap3A_435] : memref<2x32768xf32, #tpu.memory_space<vmem>> -> memref<1x32768xf32, #tpu.memory_space<vmem>>
        %swap3A_437 = tpu.memref_squeeze %swap3A_436 : memref<1x32768xf32, #tpu.memory_space<vmem>> -> memref<32768xf32, #tpu.memory_space<vmem>>
        %swap3A_438 = arith.index_cast %add3A_434 : i32 to index
        %swap3A_439 = tpu.vector_load %swap3A_437[%swap3A_438] {strides = array<i32>} : memref<32768xf32, #tpu.memory_space<vmem>>, vector<16xf32>,
        tpu.vector_store %swap3A_437[%swap3A_438], %gather3A_229 {strides = array<i32>} : memref<32768xf32, #tpu.memory_space<vmem>>, vector<16xf32>,
        %add3A_440 = arith.constant 176 : i32
        %add3A_441 = arith.addi %mul3A_363, %add3A_440 : i32
        %swap3A_442 = arith.constant 0 : i32
        %swap3A_443 = tpu.memref_slice %arg8[%scan3A_82, %swap3A_442] : memref<2x32768xf32, #tpu.memory_space<vmem>> -> memref<1x32768xf32, #tpu.memory_space<vmem>>
        %swap3A_444 = tpu.memref_squeeze %swap3A_443 : memref<1x32768xf32, #tpu.memory_space<vmem>> -> memref<32768xf32, #tpu.memory_space<vmem>>
        %swap3A_445 = arith.index_cast %add3A_441 : i32 to index
        %swap3A_446 = tpu.vector_load %swap3A_444[%swap3A_445] {strides = array<i32>} : memref<32768xf32, #tpu.memory_space<vmem>>, vector<16xf32>,
        tpu.vector_store %swap3A_444[%swap3A_445], %gather3A_231 {strides = array<i32>} : memref<32768xf32, #tpu.memory_space<vmem>>, vector<16xf32>,
        %add3A_447 = arith.constant 192 : i32
        %add3A_448 = arith.addi %mul3A_363, %add3A_447 : i32
        %swap3A_449 = arith.constant 0 : i32
        %swap3A_450 = tpu.memref_slice %arg8[%scan3A_82, %swap3A_449] : memref<2x32768xf32, #tpu.memory_space<vmem>> -> memref<1x32768xf32, #tpu.memory_space<vmem>>
        %swap3A_451 = tpu.memref_squeeze %swap3A_450 : memref<1x32768xf32, #tpu.memory_space<vmem>> -> memref<32768xf32, #tpu.memory_space<vmem>>
        %swap3A_452 = arith.index_cast %add3A_448 : i32 to index
        %swap3A_453 = tpu.vector_load %swap3A_451[%swap3A_452] {strides = array<i32>} : memref<32768xf32, #tpu.memory_space<vmem>>, vector<16xf32>,
        tpu.vector_store %swap3A_451[%swap3A_452], %gather3A_242 {strides = array<i32>} : memref<32768xf32, #tpu.memory_space<vmem>>, vector<16xf32>,
        %add3A_454 = arith.constant 208 : i32
        %add3A_455 = arith.addi %mul3A_363, %add3A_454 : i32
        %swap3A_456 = arith.constant 0 : i32
        %swap3A_457 = tpu.memref_slice %arg8[%scan3A_82, %swap3A_456] : memref<2x32768xf32, #tpu.memory_space<vmem>> -> memref<1x32768xf32, #tpu.memory_space<vmem>>
        %swap3A_458 = tpu.memref_squeeze %swap3A_457 : memref<1x32768xf32, #tpu.memory_space<vmem>> -> memref<32768xf32, #tpu.memory_space<vmem>>
        %swap3A_459 = arith.index_cast %add3A_455 : i32 to index
        %swap3A_460 = tpu.vector_load %swap3A_458[%swap3A_459] {strides = array<i32>} : memref<32768xf32, #tpu.memory_space<vmem>>, vector<16xf32>,
        tpu.vector_store %swap3A_458[%swap3A_459], %gather3A_244 {strides = array<i32>} : memref<32768xf32, #tpu.memory_space<vmem>>, vector<16xf32>,
        %add3A_461 = arith.constant 224 : i32
        %add3A_462 = arith.addi %mul3A_363, %add3A_461 : i32
        %swap3A_463 = arith.constant 0 : i32
        %swap3A_464 = tpu.memref_slice %arg8[%scan3A_82, %swap3A_463] : memref<2x32768xf32, #tpu.memory_space<vmem>> -> memref<1x32768xf32, #tpu.memory_space<vmem>>
        %swap3A_465 = tpu.memref_squeeze %swap3A_464 : memref<1x32768xf32, #tpu.memory_space<vmem>> -> memref<32768xf32, #tpu.memory_space<vmem>>
        %swap3A_466 = arith.index_cast %add3A_462 : i32 to index
        %swap3A_467 = tpu.vector_load %swap3A_465[%swap3A_466] {strides = array<i32>} : memref<32768xf32, #tpu.memory_space<vmem>>, vector<16xf32>,
        tpu.vector_store %swap3A_465[%swap3A_466], %gather3A_255 {strides = array<i32>} : memref<32768xf32, #tpu.memory_space<vmem>>, vector<16xf32>,
        %add3A_468 = arith.constant 240 : i32
        %add3A_469 = arith.addi %mul3A_363, %add3A_468 : i32
        %swap3A_470 = arith.constant 0 : i32
        %swap3A_471 = tpu.memref_slice %arg8[%scan3A_82, %swap3A_470] : memref<2x32768xf32, #tpu.memory_space<vmem>> -> memref<1x32768xf32, #tpu.memory_space<vmem>>
        %swap3A_472 = tpu.memref_squeeze %swap3A_471 : memref<1x32768xf32, #tpu.memory_space<vmem>> -> memref<32768xf32, #tpu.memory_space<vmem>>
        %swap3A_473 = arith.index_cast %add3A_469 : i32 to index
        %swap3A_474 = tpu.vector_load %swap3A_472[%swap3A_473] {strides = array<i32>} : memref<32768xf32, #tpu.memory_space<vmem>>, vector<16xf32>,
        tpu.vector_store %swap3A_472[%swap3A_473], %gather3A_257 {strides = array<i32>} : memref<32768xf32, #tpu.memory_space<vmem>>, vector<16xf32>,
        %add3A_475 = arith.constant 256 : i32
        %add3A_476 = arith.addi %mul3A_363, %add3A_475 : i32
        %swap3A_477 = arith.constant 0 : i32
        %swap3A_478 = tpu.memref_slice %arg8[%scan3A_82, %swap3A_477] : memref<2x32768xf32, #tpu.memory_space<vmem>> -> memref<1x32768xf32, #tpu.memory_space<vmem>>
        %swap3A_479 = tpu.memref_squeeze %swap3A_478 : memref<1x32768xf32, #tpu.memory_space<vmem>> -> memref<32768xf32, #tpu.memory_space<vmem>>
        %swap3A_480 = arith.index_cast %add3A_476 : i32 to index
        %swap3A_481 = tpu.vector_load %swap3A_479[%swap3A_480] {strides = array<i32>} : memref<32768xf32, #tpu.memory_space<vmem>>, vector<16xf32>,
        tpu.vector_store %swap3A_479[%swap3A_480], %gather3A_268 {strides = array<i32>} : memref<32768xf32, #tpu.memory_space<vmem>>, vector<16xf32>,
        %add3A_482 = arith.constant 272 : i32
        %add3A_483 = arith.addi %mul3A_363, %add3A_482 : i32
        %swap3A_484 = arith.constant 0 : i32
        %swap3A_485 = tpu.memref_slice %arg8[%scan3A_82, %swap3A_484] : memref<2x32768xf32, #tpu.memory_space<vmem>> -> memref<1x32768xf32, #tpu.memory_space<vmem>>
        %swap3A_486 = tpu.memref_squeeze %swap3A_485 : memref<1x32768xf32, #tpu.memory_space<vmem>> -> memref<32768xf32, #tpu.memory_space<vmem>>
        %swap3A_487 = arith.index_cast %add3A_483 : i32 to index
        %swap3A_488 = tpu.vector_load %swap3A_486[%swap3A_487] {strides = array<i32>} : memref<32768xf32, #tpu.memory_space<vmem>>, vector<16xf32>,
        tpu.vector_store %swap3A_486[%swap3A_487], %gather3A_270 {strides = array<i32>} : memref<32768xf32, #tpu.memory_space<vmem>>, vector<16xf32>,
        %add3A_489 = arith.constant 288 : i32
        %add3A_490 = arith.addi %mul3A_363, %add3A_489 : i32
        %swap3A_491 = arith.constant 0 : i32
        %swap3A_492 = tpu.memref_slice %arg8[%scan3A_82, %swap3A_491] : memref<2x32768xf32, #tpu.memory_space<vmem>> -> memref<1x32768xf32, #tpu.memory_space<vmem>>
        %swap3A_493 = tpu.memref_squeeze %swap3A_492 : memref<1x32768xf32, #tpu.memory_space<vmem>> -> memref<32768xf32, #tpu.memory_space<vmem>>
        %swap3A_494 = arith.index_cast %add3A_490 : i32 to index
        %swap3A_495 = tpu.vector_load %swap3A_493[%swap3A_494] {strides = array<i32>} : memref<32768xf32, #tpu.memory_space<vmem>>, vector<16xf32>,
        tpu.vector_store %swap3A_493[%swap3A_494], %gather3A_281 {strides = array<i32>} : memref<32768xf32, #tpu.memory_space<vmem>>, vector<16xf32>,
        %add3A_496 = arith.constant 304 : i32
        %add3A_497 = arith.addi %mul3A_363, %add3A_496 : i32
        %swap3A_498 = arith.constant 0 : i32
        %swap3A_499 = tpu.memref_slice %arg8[%scan3A_82, %swap3A_498] : memref<2x32768xf32, #tpu.memory_space<vmem>> -> memref<1x32768xf32, #tpu.memory_space<vmem>>
        %swap3A_500 = tpu.memref_squeeze %swap3A_499 : memref<1x32768xf32, #tpu.memory_space<vmem>> -> memref<32768xf32, #tpu.memory_space<vmem>>
        %swap3A_501 = arith.index_cast %add3A_497 : i32 to index
        %swap3A_502 = tpu.vector_load %swap3A_500[%swap3A_501] {strides = array<i32>} : memref<32768xf32, #tpu.memory_space<vmem>>, vector<16xf32>,
        tpu.vector_store %swap3A_500[%swap3A_501], %gather3A_283 {strides = array<i32>} : memref<32768xf32, #tpu.memory_space<vmem>>, vector<16xf32>,
        %add3A_503 = arith.constant 320 : i32
        %add3A_504 = arith.addi %mul3A_363, %add3A_503 : i32
        %swap3A_505 = arith.constant 0 : i32
        %swap3A_506 = tpu.memref_slice %arg8[%scan3A_82, %swap3A_505] : memref<2x32768xf32, #tpu.memory_space<vmem>> -> memref<1x32768xf32, #tpu.memory_space<vmem>>
        %swap3A_507 = tpu.memref_squeeze %swap3A_506 : memref<1x32768xf32, #tpu.memory_space<vmem>> -> memref<32768xf32, #tpu.memory_space<vmem>>
        %swap3A_508 = arith.index_cast %add3A_504 : i32 to index
        %swap3A_509 = tpu.vector_load %swap3A_507[%swap3A_508] {strides = array<i32>} : memref<32768xf32, #tpu.memory_space<vmem>>, vector<16xf32>,
        tpu.vector_store %swap3A_507[%swap3A_508], %gather3A_294 {strides = array<i32>} : memref<32768xf32, #tpu.memory_space<vmem>>, vector<16xf32>,
        %add3A_510 = arith.constant 336 : i32
        %add3A_511 = arith.addi %mul3A_363, %add3A_510 : i32
        %swap3A_512 = arith.constant 0 : i32
        %swap3A_513 = tpu.memref_slice %arg8[%scan3A_82, %swap3A_512] : memref<2x32768xf32, #tpu.memory_space<vmem>> -> memref<1x32768xf32, #tpu.memory_space<vmem>>
        %swap3A_514 = tpu.memref_squeeze %swap3A_513 : memref<1x32768xf32, #tpu.memory_space<vmem>> -> memref<32768xf32, #tpu.memory_space<vmem>>
        %swap3A_515 = arith.index_cast %add3A_511 : i32 to index
        %swap3A_516 = tpu.vector_load %swap3A_514[%swap3A_515] {strides = array<i32>} : memref<32768xf32, #tpu.memory_space<vmem>>, vector<16xf32>,
        tpu.vector_store %swap3A_514[%swap3A_515], %gather3A_296 {strides = array<i32>} : memref<32768xf32, #tpu.memory_space<vmem>>, vector<16xf32>,
        %add3A_517 = arith.constant 352 : i32
        %add3A_518 = arith.addi %mul3A_363, %add3A_517 : i32
        %swap3A_519 = arith.constant 0 : i32
        %swap3A_520 = tpu.memref_slice %arg8[%scan3A_82, %swap3A_519] : memref<2x32768xf32, #tpu.memory_space<vmem>> -> memref<1x32768xf32, #tpu.memory_space<vmem>>
        %swap3A_521 = tpu.memref_squeeze %swap3A_520 : memref<1x32768xf32, #tpu.memory_space<vmem>> -> memref<32768xf32, #tpu.memory_space<vmem>>
        %swap3A_522 = arith.index_cast %add3A_518 : i32 to index
        %swap3A_523 = tpu.vector_load %swap3A_521[%swap3A_522] {strides = array<i32>} : memref<32768xf32, #tpu.memory_space<vmem>>, vector<16xf32>,
        tpu.vector_store %swap3A_521[%swap3A_522], %gather3A_307 {strides = array<i32>} : memref<32768xf32, #tpu.memory_space<vmem>>, vector<16xf32>,
        %add3A_524 = arith.constant 368 : i32
        %add3A_525 = arith.addi %mul3A_363, %add3A_524 : i32
        %swap3A_526 = arith.constant 0 : i32
        %swap3A_527 = tpu.memref_slice %arg8[%scan3A_82, %swap3A_526] : memref<2x32768xf32, #tpu.memory_space<vmem>> -> memref<1x32768xf32, #tpu.memory_space<vmem>>
        %swap3A_528 = tpu.memref_squeeze %swap3A_527 : memref<1x32768xf32, #tpu.memory_space<vmem>> -> memref<32768xf32, #tpu.memory_space<vmem>>
        %swap3A_529 = arith.index_cast %add3A_525 : i32 to index
        %swap3A_530 = tpu.vector_load %swap3A_528[%swap3A_529] {strides = array<i32>} : memref<32768xf32, #tpu.memory_space<vmem>>, vector<16xf32>,
        tpu.vector_store %swap3A_528[%swap3A_529], %gather3A_309 {strides = array<i32>} : memref<32768xf32, #tpu.memory_space<vmem>>, vector<16xf32>,
        %add3A_531 = arith.constant 384 : i32
        %add3A_532 = arith.addi %mul3A_363, %add3A_531 : i32
        %swap3A_533 = arith.constant 0 : i32
        %swap3A_534 = tpu.memref_slice %arg8[%scan3A_82, %swap3A_533] : memref<2x32768xf32, #tpu.memory_space<vmem>> -> memref<1x32768xf32, #tpu.memory_space<vmem>>
        %swap3A_535 = tpu.memref_squeeze %swap3A_534 : memref<1x32768xf32, #tpu.memory_space<vmem>> -> memref<32768xf32, #tpu.memory_space<vmem>>
        %swap3A_536 = arith.index_cast %add3A_532 : i32 to index
        %swap3A_537 = tpu.vector_load %swap3A_535[%swap3A_536] {strides = array<i32>} : memref<32768xf32, #tpu.memory_space<vmem>>, vector<16xf32>,
        tpu.vector_store %swap3A_535[%swap3A_536], %gather3A_320 {strides = array<i32>} : memref<32768xf32, #tpu.memory_space<vmem>>, vector<16xf32>,
        %add3A_538 = arith.constant 400 : i32
        %add3A_539 = arith.addi %mul3A_363, %add3A_538 : i32
        %swap3A_540 = arith.constant 0 : i32
        %swap3A_541 = tpu.memref_slice %arg8[%scan3A_82, %swap3A_540] : memref<2x32768xf32, #tpu.memory_space<vmem>> -> memref<1x32768xf32, #tpu.memory_space<vmem>>
        %swap3A_542 = tpu.memref_squeeze %swap3A_541 : memref<1x32768xf32, #tpu.memory_space<vmem>> -> memref<32768xf32, #tpu.memory_space<vmem>>
        %swap3A_543 = arith.index_cast %add3A_539 : i32 to index
        %swap3A_544 = tpu.vector_load %swap3A_542[%swap3A_543] {strides = array<i32>} : memref<32768xf32, #tpu.memory_space<vmem>>, vector<16xf32>,
        tpu.vector_store %swap3A_542[%swap3A_543], %gather3A_322 {strides = array<i32>} : memref<32768xf32, #tpu.memory_space<vmem>>, vector<16xf32>,
        %add3A_545 = arith.constant 416 : i32
        %add3A_546 = arith.addi %mul3A_363, %add3A_545 : i32
        %swap3A_547 = arith.constant 0 : i32
        %swap3A_548 = tpu.memref_slice %arg8[%scan3A_82, %swap3A_547] : memref<2x32768xf32, #tpu.memory_space<vmem>> -> memref<1x32768xf32, #tpu.memory_space<vmem>>
        %swap3A_549 = tpu.memref_squeeze %swap3A_548 : memref<1x32768xf32, #tpu.memory_space<vmem>> -> memref<32768xf32, #tpu.memory_space<vmem>>
        %swap3A_550 = arith.index_cast %add3A_546 : i32 to index
        %swap3A_551 = tpu.vector_load %swap3A_549[%swap3A_550] {strides = array<i32>} : memref<32768xf32, #tpu.memory_space<vmem>>, vector<16xf32>,
        tpu.vector_store %swap3A_549[%swap3A_550], %gather3A_333 {strides = array<i32>} : memref<32768xf32, #tpu.memory_space<vmem>>, vector<16xf32>,
        %add3A_552 = arith.constant 432 : i32
        %add3A_553 = arith.addi %mul3A_363, %add3A_552 : i32
        %swap3A_554 = arith.constant 0 : i32
        %swap3A_555 = tpu.memref_slice %arg8[%scan3A_82, %swap3A_554] : memref<2x32768xf32, #tpu.memory_space<vmem>> -> memref<1x32768xf32, #tpu.memory_space<vmem>>
        %swap3A_556 = tpu.memref_squeeze %swap3A_555 : memref<1x32768xf32, #tpu.memory_space<vmem>> -> memref<32768xf32, #tpu.memory_space<vmem>>
        %swap3A_557 = arith.index_cast %add3A_553 : i32 to index
        %swap3A_558 = tpu.vector_load %swap3A_556[%swap3A_557] {strides = array<i32>} : memref<32768xf32, #tpu.memory_space<vmem>>, vector<16xf32>,
        tpu.vector_store %swap3A_556[%swap3A_557], %gather3A_335 {strides = array<i32>} : memref<32768xf32, #tpu.memory_space<vmem>>, vector<16xf32>,
        %add3A_559 = arith.constant 448 : i32
        %add3A_560 = arith.addi %mul3A_363, %add3A_559 : i32
        %swap3A_561 = arith.constant 0 : i32
        %swap3A_562 = tpu.memref_slice %arg8[%scan3A_82, %swap3A_561] : memref<2x32768xf32, #tpu.memory_space<vmem>> -> memref<1x32768xf32, #tpu.memory_space<vmem>>
        %swap3A_563 = tpu.memref_squeeze %swap3A_562 : memref<1x32768xf32, #tpu.memory_space<vmem>> -> memref<32768xf32, #tpu.memory_space<vmem>>
        %swap3A_564 = arith.index_cast %add3A_560 : i32 to index
        %swap3A_565 = tpu.vector_load %swap3A_563[%swap3A_564] {strides = array<i32>} : memref<32768xf32, #tpu.memory_space<vmem>>, vector<16xf32>,
        tpu.vector_store %swap3A_563[%swap3A_564], %gather3A_346 {strides = array<i32>} : memref<32768xf32, #tpu.memory_space<vmem>>, vector<16xf32>,
        %add3A_566 = arith.constant 464 : i32
        %add3A_567 = arith.addi %mul3A_363, %add3A_566 : i32
        %swap3A_568 = arith.constant 0 : i32
        %swap3A_569 = tpu.memref_slice %arg8[%scan3A_82, %swap3A_568] : memref<2x32768xf32, #tpu.memory_space<vmem>> -> memref<1x32768xf32, #tpu.memory_space<vmem>>
        %swap3A_570 = tpu.memref_squeeze %swap3A_569 : memref<1x32768xf32, #tpu.memory_space<vmem>> -> memref<32768xf32, #tpu.memory_space<vmem>>
        %swap3A_571 = arith.index_cast %add3A_567 : i32 to index
        %swap3A_572 = tpu.vector_load %swap3A_570[%swap3A_571] {strides = array<i32>} : memref<32768xf32, #tpu.memory_space<vmem>>, vector<16xf32>,
        tpu.vector_store %swap3A_570[%swap3A_571], %gather3A_348 {strides = array<i32>} : memref<32768xf32, #tpu.memory_space<vmem>>, vector<16xf32>,
        %add3A_573 = arith.constant 480 : i32
        %add3A_574 = arith.addi %mul3A_363, %add3A_573 : i32
        %swap3A_575 = arith.constant 0 : i32
        %swap3A_576 = tpu.memref_slice %arg8[%scan3A_82, %swap3A_575] : memref<2x32768xf32, #tpu.memory_space<vmem>> -> memref<1x32768xf32, #tpu.memory_space<vmem>>
        %swap3A_577 = tpu.memref_squeeze %swap3A_576 : memref<1x32768xf32, #tpu.memory_space<vmem>> -> memref<32768xf32, #tpu.memory_space<vmem>>
        %swap3A_578 = arith.index_cast %add3A_574 : i32 to index
        %swap3A_579 = tpu.vector_load %swap3A_577[%swap3A_578] {strides = array<i32>} : memref<32768xf32, #tpu.memory_space<vmem>>, vector<16xf32>,
        tpu.vector_store %swap3A_577[%swap3A_578], %gather3A_359 {strides = array<i32>} : memref<32768xf32, #tpu.memory_space<vmem>>, vector<16xf32>,
        %add3A_580 = arith.constant 496 : i32
        %add3A_581 = arith.addi %mul3A_363, %add3A_580 : i32
        %swap3A_582 = arith.constant 0 : i32
        %swap3A_583 = tpu.memref_slice %arg8[%scan3A_82, %swap3A_582] : memref<2x32768xf32, #tpu.memory_space<vmem>> -> memref<1x32768xf32, #tpu.memory_space<vmem>>
        %swap3A_584 = tpu.memref_squeeze %swap3A_583 : memref<1x32768xf32, #tpu.memory_space<vmem>> -> memref<32768xf32, #tpu.memory_space<vmem>>
        %swap3A_585 = arith.index_cast %add3A_581 : i32 to index
        %swap3A_586 = tpu.vector_load %swap3A_584[%swap3A_585] {strides = array<i32>} : memref<32768xf32, #tpu.memory_space<vmem>>, vector<16xf32>,
        tpu.vector_store %swap3A_584[%swap3A_585], %gather3A_361 {strides = array<i32>} : memref<32768xf32, #tpu.memory_space<vmem>>, vector<16xf32>,
      }
      %scan3A_87 = arith.constant 64 : i32
      %dma_start3A_88 = arith.constant 0 : i32
      %dma_start3A_89 = arith.constant 0 : i32
      %dma_start3A_90 = tpu.memref_slice %arg8[%dma_start3A_88, %dma_start3A_89] : memref<2x32768xf32, #tpu.memory_space<vmem>> -> memref<1x32768xf32, #tpu.memory_space<vmem>>
      %dma_start3A_91 = tpu.memref_squeeze %dma_start3A_90 : memref<1x32768xf32, #tpu.memory_space<vmem>> -> memref<32768xf32, #tpu.memory_space<vmem>>
      %dma_start3A_92 = tpu.memref_slice %arg5[%mul3A_68] : memref<134217728xf32, #tpu.memory_space<hbm>> -> memref<32768xf32, #tpu.memory_space<hbm>>
      %dma_start3A_93 = tpu.memref_slice %arg5[%mul3A_68] : memref<134217728xf32, #tpu.memory_space<hbm>> -> memref<32768xf32, #tpu.memory_space<hbm>>
      %dma_start3A_94 = arith.constant 0 : i32
      %dma_start3A_95 = tpu.memref_slice %arg8[%dma_start3A_88, %dma_start3A_94] : memref<2x32768xf32, #tpu.memory_space<vmem>> -> memref<1x32768xf32, #tpu.memory_space<vmem>>
      %dma_start3A_96 = tpu.memref_squeeze %dma_start3A_95 : memref<1x32768xf32, #tpu.memory_space<vmem>> -> memref<32768xf32, #tpu.memory_space<vmem>>
      tpu.enqueue_dma source(%dma_start3A_96 : memref<32768xf32, #tpu.memory_space<vmem>>) target(%dma_start3A_93 : memref<32768xf32, #tpu.memory_space<hbm>>) target_semaphore(%arg12 : memref<!tpu.dma_semaphore, #tpu.memory_space<semaphore_mem>>)
      %lt3A = arith.constant 63 : i32
      %lt3A_97 = arith.cmpi slt, %scan3A_59, %lt3A : i32
      %convert_element_type3A_98 = arith.extui %lt3A_97 : i1 to i32
      %cond3A_99 = arith.constant 0 : i32
      %cond3A_100 = arith.cmpi ne, %convert_element_type3A_98, %cond3A_99 : i32
      scf.if %cond3A_100 {
        %add3A_146 = arith.constant 2048 : i32
        %add3A_147 = arith.addi %add3A_66, %add3A_146 : i32
        %dma_start3A_148 = arith.constant 0 : i32
        %dma_start3A_149 = arith.constant 0 : i32
        %dma_start3A_150 = tpu.memref_slice %arg7[%dma_start3A_148, %dma_start3A_149] : memref<2x1024xi32, #tpu.memory_space<vmem>> -> memref<1x1024xi32, #tpu.memory_space<vmem>>
        %dma_start3A_151 = tpu.memref_squeeze %dma_start3A_150 : memref<1x1024xi32, #tpu.memory_space<vmem>> -> memref<1024xi32, #tpu.memory_space<vmem>>
        %dma_start3A_152 = tpu.memref_slice %arg2[%add3A_147] : memref<4194304xi32, #tpu.memory_space<hbm>> -> memref<1024xi32, #tpu.memory_space<hbm>>
        %dma_start3A_153 = arith.constant 0 : i32
        %dma_start3A_154 = tpu.memref_slice %arg7[%dma_start3A_148, %dma_start3A_153] : memref<2x1024xi32, #tpu.memory_space<vmem>> -> memref<1x1024xi32, #tpu.memory_space<vmem>>
        %dma_start3A_155 = tpu.memref_squeeze %dma_start3A_154 : memref<1x1024xi32, #tpu.memory_space<vmem>> -> memref<1024xi32, #tpu.memory_space<vmem>>
        %dma_start3A_156 = tpu.memref_slice %arg2[%add3A_147] : memref<4194304xi32, #tpu.memory_space<hbm>> -> memref<1024xi32, #tpu.memory_space<hbm>>
        tpu.enqueue_dma source(%dma_start3A_156 : memref<1024xi32, #tpu.memory_space<hbm>>) target(%dma_start3A_155 : memref<1024xi32, #tpu.memory_space<vmem>>) target_semaphore(%arg10 : memref<!tpu.dma_semaphore, #tpu.memory_space<semaphore_mem>>)
      } else {
      }
      %mul3A_101 = arith.constant 2 : i32
      %mul3A_102 = arith.muli %scan3A_59, %mul3A_101 : i32
      %add3A_103 = arith.constant 1 : i32
      %add3A_104 = arith.addi %mul3A_102, %add3A_103 : i32
      %mul3A_105 = arith.constant 1024 : i32
      %mul3A_106 = arith.muli %add3A_104, %mul3A_105 : i32
      %add3A_107 = arith.addi %mul3A_2, %mul3A_106 : i32
      %mul3A_108 = arith.constant 32 : i32
      %mul3A_109 = arith.muli %add3A_107, %mul3A_108 : i32
      %ge3A_110 = arith.constant 1 : i32
      %ge3A_111 = arith.cmpi sge, %scan3A_59, %ge3A_110 : i32
      %convert_element_type3A_112 = arith.extui %ge3A_111 : i1 to i32
      %cond3A_113 = arith.constant 1 : i32
      %cond3A_114 = arith.constant 0 : i32
      %cond3A_115 = arith.cmpi ne, %convert_element_type3A_112, %cond3A_114 : i32
      scf.if %cond3A_115 {
        %dma_wait3A_146 = arith.constant 0 : i32
        %dma_wait3A_147 = tpu.memref_slice %arg8[%cond3A_113, %dma_wait3A_146] : memref<2x32768xf32, #tpu.memory_space<vmem>> -> memref<1x32768xf32, #tpu.memory_space<vmem>>
        %dma_wait3A_148 = tpu.memref_squeeze %dma_wait3A_147 : memref<1x32768xf32, #tpu.memory_space<vmem>> -> memref<32768xf32, #tpu.memory_space<vmem>>
        %dma_wait3A_149 = tpu.memref_slice %arg5[%mul3A_109] : memref<134217728xf32, #tpu.memory_space<hbm>> -> memref<32768xf32, #tpu.memory_space<hbm>>
        %dma_wait3A_150 = tpu.memref_slice %arg5[%mul3A_109] : memref<134217728xf32, #tpu.memory_space<hbm>> -> memref<32768xf32, #tpu.memory_space<hbm>>
        %dma_wait3A_151 = arith.constant 0 : i32
        %dma_wait3A_152 = tpu.memref_slice %arg8[%cond3A_113, %dma_wait3A_151] : memref<2x32768xf32, #tpu.memory_space<vmem>> -> memref<1x32768xf32, #tpu.memory_space<vmem>>
        %dma_wait3A_153 = tpu.memref_squeeze %dma_wait3A_152 : memref<1x32768xf32, #tpu.memory_space<vmem>> -> memref<32768xf32, #tpu.memory_space<vmem>>
        tpu.wait_dma2 semaphore(%arg13 : memref<!tpu.dma_semaphore, #tpu.memory_space<semaphore_mem>>) src(%dma_wait3A_153 : memref<32768xf32, #tpu.memory_space<vmem>>) dst(%dma_wait3A_150 : memref<32768xf32, #tpu.memory_space<hbm>>)
      } else {
      }
      %dma_wait3A_116 = arith.constant 1 : i32
      %dma_wait3A_117 = arith.constant 0 : i32
      %dma_wait3A_118 = tpu.memref_slice %arg7[%dma_wait3A_116, %dma_wait3A_117] : memref<2x1024xi32, #tpu.memory_space<vmem>> -> memref<1x1024xi32, #tpu.memory_space<vmem>>
      %dma_wait3A_119 = tpu.memref_squeeze %dma_wait3A_118 : memref<1x1024xi32, #tpu.memory_space<vmem>> -> memref<1024xi32, #tpu.memory_space<vmem>>
      %dma_wait3A_120 = tpu.memref_slice %arg2[%add3A_107] : memref<4194304xi32, #tpu.memory_space<hbm>> -> memref<1024xi32, #tpu.memory_space<hbm>>
      %dma_wait3A_121 = arith.constant 0 : i32
      %dma_wait3A_122 = tpu.memref_slice %arg7[%dma_wait3A_116, %dma_wait3A_121] : memref<2x1024xi32, #tpu.memory_space<vmem>> -> memref<1x1024xi32, #tpu.memory_space<vmem>>
      %dma_wait3A_123 = tpu.memref_squeeze %dma_wait3A_122 : memref<1x1024xi32, #tpu.memory_space<vmem>> -> memref<1024xi32, #tpu.memory_space<vmem>>
      %dma_wait3A_124 = tpu.memref_slice %arg2[%add3A_107] : memref<4194304xi32, #tpu.memory_space<hbm>> -> memref<1024xi32, #tpu.memory_space<hbm>>
      tpu.wait_dma2 semaphore(%arg11 : memref<!tpu.dma_semaphore, #tpu.memory_space<semaphore_mem>>) src(%dma_wait3A_124 : memref<1024xi32, #tpu.memory_space<hbm>>) dst(%dma_wait3A_123 : memref<1024xi32, #tpu.memory_space<vmem>>)
      %scan3A_125 = arith.constant 1 : i32
      %scan3A_126 = arith.constant 1 : i32
      %scan3A_127 = arith.constant 0 : i32
      %scan3A_128 = arith.constant 64 : i32
      %scan3A_129 = arith.addi %scan3A_127, %scan3A_128 : i32
      %scan3A_130 = arith.constant 1 : i32
      scf.for %scan3A_146 = %scan3A_127 to %scan3A_129 step %scan3A_130  : i32 {
        %mul3A_147 = arith.constant 16 : i32
        %mul3A_148 = arith.muli %scan3A_146, %mul3A_147 : i32
        %add3A_149 = vector.broadcast %mul3A_148 : i32 to vector<16xi32>
        %add3A_150 = arith.addi %add3A_149, %iota3A : vector<16xi32>
        %gather3A = arith.constant 0 : i32
        %gather3A_151 = tpu.memref_slice %arg7[%scan3A_125, %gather3A] : memref<2x1024xi32, #tpu.memory_space<vmem>> -> memref<1x1024xi32, #tpu.memory_space<vmem>>
        %gather3A_152 = tpu.memref_squeeze %gather3A_151 : memref<1x1024xi32, #tpu.memory_space<vmem>> -> memref<1024xi32, #tpu.memory_space<vmem>>
        %gather3A_153 = tpu.vector_load_idx %gather3A_152[%add3A_150] : memref<1024xi32, #tpu.memory_space<vmem>>[vector<16xi32>], vector<16xi32>,
        %broadcast_in_dim3A_154 = arith.constant 0 : i32
        %broadcast_in_dim3A_155 = vector.broadcast %broadcast_in_dim3A_154 : i32 to vector<16xi32>
        %broadcast_in_dim3A_156 = vector.shape_cast %broadcast_in_dim3A_155 : vector<16xi32> to vector<16x1xi32>
        %gather3A_157 = vector.shape_cast %broadcast_in_dim3A_156 : vector<16x1xi32> to vector<16xi32>
        %gather3A_158 = tpu.dynamic_gather %gather3A_153[%gather3A_157] in [0] : vector<16xi32>, vector<16xi32> -> vector<16xi32>
        %mul3A_159 = arith.constant 32 : i32
        %mul3A_160 = vector.broadcast %mul3A_159 : i32 to vector<16xi32>
        %mul3A_161 = arith.muli %gather3A_158, %mul3A_160 : vector<16xi32>
        %add3A_162 = arith.addi %mul3A_161, %add3A_7 : vector<16xi32>
        %add3A_163 = arith.addi %add3A_162, %broadcast_in_dim3A_8 : vector<16xi32>
        %gather3A_164 = tpu.vector_load_idx %arg6[%add3A_163] : memref<16384xf32, #tpu.memory_space<vmem>>[vector<16xi32>], vector<16xf32>,
        %add3A_165 = arith.addi %add3A_162, %broadcast_in_dim3A_10 : vector<16xi32>
        %gather3A_166 = tpu.vector_load_idx %arg6[%add3A_165] : memref<16384xf32, #tpu.memory_space<vmem>>[vector<16xi32>], vector<16xf32>,
        %broadcast_in_dim3A_167 = arith.constant 1 : i32
        %broadcast_in_dim3A_168 = vector.broadcast %broadcast_in_dim3A_167 : i32 to vector<16xi32>
        %broadcast_in_dim3A_169 = vector.shape_cast %broadcast_in_dim3A_168 : vector<16xi32> to vector<16x1xi32>
        %gather3A_170 = vector.shape_cast %broadcast_in_dim3A_169 : vector<16x1xi32> to vector<16xi32>
        %gather3A_171 = tpu.dynamic_gather %gather3A_153[%gather3A_170] in [0] : vector<16xi32>, vector<16xi32> -> vector<16xi32>
        %mul3A_172 = arith.constant 32 : i32
        %mul3A_173 = vector.broadcast %mul3A_172 : i32 to vector<16xi32>
        %mul3A_174 = arith.muli %gather3A_171, %mul3A_173 : vector<16xi32>
        %add3A_175 = arith.addi %mul3A_174, %add3A_7 : vector<16xi32>
        %add3A_176 = arith.addi %add3A_175, %broadcast_in_dim3A_8 : vector<16xi32>
        %gather3A_177 = tpu.vector_load_idx %arg6[%add3A_176] : memref<16384xf32, #tpu.memory_space<vmem>>[vector<16xi32>], vector<16xf32>,
        %add3A_178 = arith.addi %add3A_175, %broadcast_in_dim3A_10 : vector<16xi32>
        %gather3A_179 = tpu.vector_load_idx %arg6[%add3A_178] : memref<16384xf32, #tpu.memory_space<vmem>>[vector<16xi32>], vector<16xf32>,
        %broadcast_in_dim3A_180 = arith.constant 2 : i32
        %broadcast_in_dim3A_181 = vector.broadcast %broadcast_in_dim3A_180 : i32 to vector<16xi32>
        %broadcast_in_dim3A_182 = vector.shape_cast %broadcast_in_dim3A_181 : vector<16xi32> to vector<16x1xi32>
        %gather3A_183 = vector.shape_cast %broadcast_in_dim3A_182 : vector<16x1xi32> to vector<16xi32>
        %gather3A_184 = tpu.dynamic_gather %gather3A_153[%gather3A_183] in [0] : vector<16xi32>, vector<16xi32> -> vector<16xi32>
        %mul3A_185 = arith.constant 32 : i32
        %mul3A_186 = vector.broadcast %mul3A_185 : i32 to vector<16xi32>
        %mul3A_187 = arith.muli %gather3A_184, %mul3A_186 : vector<16xi32>
        %add3A_188 = arith.addi %mul3A_187, %add3A_7 : vector<16xi32>
        %add3A_189 = arith.addi %add3A_188, %broadcast_in_dim3A_8 : vector<16xi32>
        %gather3A_190 = tpu.vector_load_idx %arg6[%add3A_189] : memref<16384xf32, #tpu.memory_space<vmem>>[vector<16xi32>], vector<16xf32>,
        %add3A_191 = arith.addi %add3A_188, %broadcast_in_dim3A_10 : vector<16xi32>
        %gather3A_192 = tpu.vector_load_idx %arg6[%add3A_191] : memref<16384xf32, #tpu.memory_space<vmem>>[vector<16xi32>], vector<16xf32>,
        %broadcast_in_dim3A_193 = arith.constant 3 : i32
        %broadcast_in_dim3A_194 = vector.broadcast %broadcast_in_dim3A_193 : i32 to vector<16xi32>
        %broadcast_in_dim3A_195 = vector.shape_cast %broadcast_in_dim3A_194 : vector<16xi32> to vector<16x1xi32>
        %gather3A_196 = vector.shape_cast %broadcast_in_dim3A_195 : vector<16x1xi32> to vector<16xi32>
        %gather3A_197 = tpu.dynamic_gather %gather3A_153[%gather3A_196] in [0] : vector<16xi32>, vector<16xi32> -> vector<16xi32>
        %mul3A_198 = arith.constant 32 : i32
        %mul3A_199 = vector.broadcast %mul3A_198 : i32 to vector<16xi32>
        %mul3A_200 = arith.muli %gather3A_197, %mul3A_199 : vector<16xi32>
        %add3A_201 = arith.addi %mul3A_200, %add3A_7 : vector<16xi32>
        %add3A_202 = arith.addi %add3A_201, %broadcast_in_dim3A_8 : vector<16xi32>
        %gather3A_203 = tpu.vector_load_idx %arg6[%add3A_202] : memref<16384xf32, #tpu.memory_space<vmem>>[vector<16xi32>], vector<16xf32>,
        %add3A_204 = arith.addi %add3A_201, %broadcast_in_dim3A_10 : vector<16xi32>
        %gather3A_205 = tpu.vector_load_idx %arg6[%add3A_204] : memref<16384xf32, #tpu.memory_space<vmem>>[vector<16xi32>], vector<16xf32>,
        %broadcast_in_dim3A_206 = arith.constant 4 : i32
        %broadcast_in_dim3A_207 = vector.broadcast %broadcast_in_dim3A_206 : i32 to vector<16xi32>
        %broadcast_in_dim3A_208 = vector.shape_cast %broadcast_in_dim3A_207 : vector<16xi32> to vector<16x1xi32>
        %gather3A_209 = vector.shape_cast %broadcast_in_dim3A_208 : vector<16x1xi32> to vector<16xi32>
        %gather3A_210 = tpu.dynamic_gather %gather3A_153[%gather3A_209] in [0] : vector<16xi32>, vector<16xi32> -> vector<16xi32>
        %mul3A_211 = arith.constant 32 : i32
        %mul3A_212 = vector.broadcast %mul3A_211 : i32 to vector<16xi32>
        %mul3A_213 = arith.muli %gather3A_210, %mul3A_212 : vector<16xi32>
        %add3A_214 = arith.addi %mul3A_213, %add3A_7 : vector<16xi32>
        %add3A_215 = arith.addi %add3A_214, %broadcast_in_dim3A_8 : vector<16xi32>
        %gather3A_216 = tpu.vector_load_idx %arg6[%add3A_215] : memref<16384xf32, #tpu.memory_space<vmem>>[vector<16xi32>], vector<16xf32>,
        %add3A_217 = arith.addi %add3A_214, %broadcast_in_dim3A_10 : vector<16xi32>
        %gather3A_218 = tpu.vector_load_idx %arg6[%add3A_217] : memref<16384xf32, #tpu.memory_space<vmem>>[vector<16xi32>], vector<16xf32>,
        %broadcast_in_dim3A_219 = arith.constant 5 : i32
        %broadcast_in_dim3A_220 = vector.broadcast %broadcast_in_dim3A_219 : i32 to vector<16xi32>
        %broadcast_in_dim3A_221 = vector.shape_cast %broadcast_in_dim3A_220 : vector<16xi32> to vector<16x1xi32>
        %gather3A_222 = vector.shape_cast %broadcast_in_dim3A_221 : vector<16x1xi32> to vector<16xi32>
        %gather3A_223 = tpu.dynamic_gather %gather3A_153[%gather3A_222] in [0] : vector<16xi32>, vector<16xi32> -> vector<16xi32>
        %mul3A_224 = arith.constant 32 : i32
        %mul3A_225 = vector.broadcast %mul3A_224 : i32 to vector<16xi32>
        %mul3A_226 = arith.muli %gather3A_223, %mul3A_225 : vector<16xi32>
        %add3A_227 = arith.addi %mul3A_226, %add3A_7 : vector<16xi32>
        %add3A_228 = arith.addi %add3A_227, %broadcast_in_dim3A_8 : vector<16xi32>
        %gather3A_229 = tpu.vector_load_idx %arg6[%add3A_228] : memref<16384xf32, #tpu.memory_space<vmem>>[vector<16xi32>], vector<16xf32>,
        %add3A_230 = arith.addi %add3A_227, %broadcast_in_dim3A_10 : vector<16xi32>
        %gather3A_231 = tpu.vector_load_idx %arg6[%add3A_230] : memref<16384xf32, #tpu.memory_space<vmem>>[vector<16xi32>], vector<16xf32>,
        %broadcast_in_dim3A_232 = arith.constant 6 : i32
        %broadcast_in_dim3A_233 = vector.broadcast %broadcast_in_dim3A_232 : i32 to vector<16xi32>
        %broadcast_in_dim3A_234 = vector.shape_cast %broadcast_in_dim3A_233 : vector<16xi32> to vector<16x1xi32>
        %gather3A_235 = vector.shape_cast %broadcast_in_dim3A_234 : vector<16x1xi32> to vector<16xi32>
        %gather3A_236 = tpu.dynamic_gather %gather3A_153[%gather3A_235] in [0] : vector<16xi32>, vector<16xi32> -> vector<16xi32>
        %mul3A_237 = arith.constant 32 : i32
        %mul3A_238 = vector.broadcast %mul3A_237 : i32 to vector<16xi32>
        %mul3A_239 = arith.muli %gather3A_236, %mul3A_238 : vector<16xi32>
        %add3A_240 = arith.addi %mul3A_239, %add3A_7 : vector<16xi32>
        %add3A_241 = arith.addi %add3A_240, %broadcast_in_dim3A_8 : vector<16xi32>
        %gather3A_242 = tpu.vector_load_idx %arg6[%add3A_241] : memref<16384xf32, #tpu.memory_space<vmem>>[vector<16xi32>], vector<16xf32>,
        %add3A_243 = arith.addi %add3A_240, %broadcast_in_dim3A_10 : vector<16xi32>
        %gather3A_244 = tpu.vector_load_idx %arg6[%add3A_243] : memref<16384xf32, #tpu.memory_space<vmem>>[vector<16xi32>], vector<16xf32>,
        %broadcast_in_dim3A_245 = arith.constant 7 : i32
        %broadcast_in_dim3A_246 = vector.broadcast %broadcast_in_dim3A_245 : i32 to vector<16xi32>
        %broadcast_in_dim3A_247 = vector.shape_cast %broadcast_in_dim3A_246 : vector<16xi32> to vector<16x1xi32>
        %gather3A_248 = vector.shape_cast %broadcast_in_dim3A_247 : vector<16x1xi32> to vector<16xi32>
        %gather3A_249 = tpu.dynamic_gather %gather3A_153[%gather3A_248] in [0] : vector<16xi32>, vector<16xi32> -> vector<16xi32>
        %mul3A_250 = arith.constant 32 : i32
        %mul3A_251 = vector.broadcast %mul3A_250 : i32 to vector<16xi32>
        %mul3A_252 = arith.muli %gather3A_249, %mul3A_251 : vector<16xi32>
        %add3A_253 = arith.addi %mul3A_252, %add3A_7 : vector<16xi32>
        %add3A_254 = arith.addi %add3A_253, %broadcast_in_dim3A_8 : vector<16xi32>
        %gather3A_255 = tpu.vector_load_idx %arg6[%add3A_254] : memref<16384xf32, #tpu.memory_space<vmem>>[vector<16xi32>], vector<16xf32>,
        %add3A_256 = arith.addi %add3A_253, %broadcast_in_dim3A_10 : vector<16xi32>
        %gather3A_257 = tpu.vector_load_idx %arg6[%add3A_256] : memref<16384xf32, #tpu.memory_space<vmem>>[vector<16xi32>], vector<16xf32>,
        %broadcast_in_dim3A_258 = arith.constant 8 : i32
        %broadcast_in_dim3A_259 = vector.broadcast %broadcast_in_dim3A_258 : i32 to vector<16xi32>
        %broadcast_in_dim3A_260 = vector.shape_cast %broadcast_in_dim3A_259 : vector<16xi32> to vector<16x1xi32>
        %gather3A_261 = vector.shape_cast %broadcast_in_dim3A_260 : vector<16x1xi32> to vector<16xi32>
        %gather3A_262 = tpu.dynamic_gather %gather3A_153[%gather3A_261] in [0] : vector<16xi32>, vector<16xi32> -> vector<16xi32>
        %mul3A_263 = arith.constant 32 : i32
        %mul3A_264 = vector.broadcast %mul3A_263 : i32 to vector<16xi32>
        %mul3A_265 = arith.muli %gather3A_262, %mul3A_264 : vector<16xi32>
        %add3A_266 = arith.addi %mul3A_265, %add3A_7 : vector<16xi32>
        %add3A_267 = arith.addi %add3A_266, %broadcast_in_dim3A_8 : vector<16xi32>
        %gather3A_268 = tpu.vector_load_idx %arg6[%add3A_267] : memref<16384xf32, #tpu.memory_space<vmem>>[vector<16xi32>], vector<16xf32>,
        %add3A_269 = arith.addi %add3A_266, %broadcast_in_dim3A_10 : vector<16xi32>
        %gather3A_270 = tpu.vector_load_idx %arg6[%add3A_269] : memref<16384xf32, #tpu.memory_space<vmem>>[vector<16xi32>], vector<16xf32>,
        %broadcast_in_dim3A_271 = arith.constant 9 : i32
        %broadcast_in_dim3A_272 = vector.broadcast %broadcast_in_dim3A_271 : i32 to vector<16xi32>
        %broadcast_in_dim3A_273 = vector.shape_cast %broadcast_in_dim3A_272 : vector<16xi32> to vector<16x1xi32>
        %gather3A_274 = vector.shape_cast %broadcast_in_dim3A_273 : vector<16x1xi32> to vector<16xi32>
        %gather3A_275 = tpu.dynamic_gather %gather3A_153[%gather3A_274] in [0] : vector<16xi32>, vector<16xi32> -> vector<16xi32>
        %mul3A_276 = arith.constant 32 : i32
        %mul3A_277 = vector.broadcast %mul3A_276 : i32 to vector<16xi32>
        %mul3A_278 = arith.muli %gather3A_275, %mul3A_277 : vector<16xi32>
        %add3A_279 = arith.addi %mul3A_278, %add3A_7 : vector<16xi32>
        %add3A_280 = arith.addi %add3A_279, %broadcast_in_dim3A_8 : vector<16xi32>
        %gather3A_281 = tpu.vector_load_idx %arg6[%add3A_280] : memref<16384xf32, #tpu.memory_space<vmem>>[vector<16xi32>], vector<16xf32>,
        %add3A_282 = arith.addi %add3A_279, %broadcast_in_dim3A_10 : vector<16xi32>
        %gather3A_283 = tpu.vector_load_idx %arg6[%add3A_282] : memref<16384xf32, #tpu.memory_space<vmem>>[vector<16xi32>], vector<16xf32>,
        %broadcast_in_dim3A_284 = arith.constant 10 : i32
        %broadcast_in_dim3A_285 = vector.broadcast %broadcast_in_dim3A_284 : i32 to vector<16xi32>
        %broadcast_in_dim3A_286 = vector.shape_cast %broadcast_in_dim3A_285 : vector<16xi32> to vector<16x1xi32>
        %gather3A_287 = vector.shape_cast %broadcast_in_dim3A_286 : vector<16x1xi32> to vector<16xi32>
        %gather3A_288 = tpu.dynamic_gather %gather3A_153[%gather3A_287] in [0] : vector<16xi32>, vector<16xi32> -> vector<16xi32>
        %mul3A_289 = arith.constant 32 : i32
        %mul3A_290 = vector.broadcast %mul3A_289 : i32 to vector<16xi32>
        %mul3A_291 = arith.muli %gather3A_288, %mul3A_290 : vector<16xi32>
        %add3A_292 = arith.addi %mul3A_291, %add3A_7 : vector<16xi32>
        %add3A_293 = arith.addi %add3A_292, %broadcast_in_dim3A_8 : vector<16xi32>
        %gather3A_294 = tpu.vector_load_idx %arg6[%add3A_293] : memref<16384xf32, #tpu.memory_space<vmem>>[vector<16xi32>], vector<16xf32>,
        %add3A_295 = arith.addi %add3A_292, %broadcast_in_dim3A_10 : vector<16xi32>
        %gather3A_296 = tpu.vector_load_idx %arg6[%add3A_295] : memref<16384xf32, #tpu.memory_space<vmem>>[vector<16xi32>], vector<16xf32>,
        %broadcast_in_dim3A_297 = arith.constant 11 : i32
        %broadcast_in_dim3A_298 = vector.broadcast %broadcast_in_dim3A_297 : i32 to vector<16xi32>
        %broadcast_in_dim3A_299 = vector.shape_cast %broadcast_in_dim3A_298 : vector<16xi32> to vector<16x1xi32>
        %gather3A_300 = vector.shape_cast %broadcast_in_dim3A_299 : vector<16x1xi32> to vector<16xi32>
        %gather3A_301 = tpu.dynamic_gather %gather3A_153[%gather3A_300] in [0] : vector<16xi32>, vector<16xi32> -> vector<16xi32>
        %mul3A_302 = arith.constant 32 : i32
        %mul3A_303 = vector.broadcast %mul3A_302 : i32 to vector<16xi32>
        %mul3A_304 = arith.muli %gather3A_301, %mul3A_303 : vector<16xi32>
        %add3A_305 = arith.addi %mul3A_304, %add3A_7 : vector<16xi32>
        %add3A_306 = arith.addi %add3A_305, %broadcast_in_dim3A_8 : vector<16xi32>
        %gather3A_307 = tpu.vector_load_idx %arg6[%add3A_306] : memref<16384xf32, #tpu.memory_space<vmem>>[vector<16xi32>], vector<16xf32>,
        %add3A_308 = arith.addi %add3A_305, %broadcast_in_dim3A_10 : vector<16xi32>
        %gather3A_309 = tpu.vector_load_idx %arg6[%add3A_308] : memref<16384xf32, #tpu.memory_space<vmem>>[vector<16xi32>], vector<16xf32>,
        %broadcast_in_dim3A_310 = arith.constant 12 : i32
        %broadcast_in_dim3A_311 = vector.broadcast %broadcast_in_dim3A_310 : i32 to vector<16xi32>
        %broadcast_in_dim3A_312 = vector.shape_cast %broadcast_in_dim3A_311 : vector<16xi32> to vector<16x1xi32>
        %gather3A_313 = vector.shape_cast %broadcast_in_dim3A_312 : vector<16x1xi32> to vector<16xi32>
        %gather3A_314 = tpu.dynamic_gather %gather3A_153[%gather3A_313] in [0] : vector<16xi32>, vector<16xi32> -> vector<16xi32>
        %mul3A_315 = arith.constant 32 : i32
        %mul3A_316 = vector.broadcast %mul3A_315 : i32 to vector<16xi32>
        %mul3A_317 = arith.muli %gather3A_314, %mul3A_316 : vector<16xi32>
        %add3A_318 = arith.addi %mul3A_317, %add3A_7 : vector<16xi32>
        %add3A_319 = arith.addi %add3A_318, %broadcast_in_dim3A_8 : vector<16xi32>
        %gather3A_320 = tpu.vector_load_idx %arg6[%add3A_319] : memref<16384xf32, #tpu.memory_space<vmem>>[vector<16xi32>], vector<16xf32>,
        %add3A_321 = arith.addi %add3A_318, %broadcast_in_dim3A_10 : vector<16xi32>
        %gather3A_322 = tpu.vector_load_idx %arg6[%add3A_321] : memref<16384xf32, #tpu.memory_space<vmem>>[vector<16xi32>], vector<16xf32>,
        %broadcast_in_dim3A_323 = arith.constant 13 : i32
        %broadcast_in_dim3A_324 = vector.broadcast %broadcast_in_dim3A_323 : i32 to vector<16xi32>
        %broadcast_in_dim3A_325 = vector.shape_cast %broadcast_in_dim3A_324 : vector<16xi32> to vector<16x1xi32>
        %gather3A_326 = vector.shape_cast %broadcast_in_dim3A_325 : vector<16x1xi32> to vector<16xi32>
        %gather3A_327 = tpu.dynamic_gather %gather3A_153[%gather3A_326] in [0] : vector<16xi32>, vector<16xi32> -> vector<16xi32>
        %mul3A_328 = arith.constant 32 : i32
        %mul3A_329 = vector.broadcast %mul3A_328 : i32 to vector<16xi32>
        %mul3A_330 = arith.muli %gather3A_327, %mul3A_329 : vector<16xi32>
        %add3A_331 = arith.addi %mul3A_330, %add3A_7 : vector<16xi32>
        %add3A_332 = arith.addi %add3A_331, %broadcast_in_dim3A_8 : vector<16xi32>
        %gather3A_333 = tpu.vector_load_idx %arg6[%add3A_332] : memref<16384xf32, #tpu.memory_space<vmem>>[vector<16xi32>], vector<16xf32>,
        %add3A_334 = arith.addi %add3A_331, %broadcast_in_dim3A_10 : vector<16xi32>
        %gather3A_335 = tpu.vector_load_idx %arg6[%add3A_334] : memref<16384xf32, #tpu.memory_space<vmem>>[vector<16xi32>], vector<16xf32>,
        %broadcast_in_dim3A_336 = arith.constant 14 : i32
        %broadcast_in_dim3A_337 = vector.broadcast %broadcast_in_dim3A_336 : i32 to vector<16xi32>
        %broadcast_in_dim3A_338 = vector.shape_cast %broadcast_in_dim3A_337 : vector<16xi32> to vector<16x1xi32>
        %gather3A_339 = vector.shape_cast %broadcast_in_dim3A_338 : vector<16x1xi32> to vector<16xi32>
        %gather3A_340 = tpu.dynamic_gather %gather3A_153[%gather3A_339] in [0] : vector<16xi32>, vector<16xi32> -> vector<16xi32>
        %mul3A_341 = arith.constant 32 : i32
        %mul3A_342 = vector.broadcast %mul3A_341 : i32 to vector<16xi32>
        %mul3A_343 = arith.muli %gather3A_340, %mul3A_342 : vector<16xi32>
        %add3A_344 = arith.addi %mul3A_343, %add3A_7 : vector<16xi32>
        %add3A_345 = arith.addi %add3A_344, %broadcast_in_dim3A_8 : vector<16xi32>
        %gather3A_346 = tpu.vector_load_idx %arg6[%add3A_345] : memref<16384xf32, #tpu.memory_space<vmem>>[vector<16xi32>], vector<16xf32>,
        %add3A_347 = arith.addi %add3A_344, %broadcast_in_dim3A_10 : vector<16xi32>
        %gather3A_348 = tpu.vector_load_idx %arg6[%add3A_347] : memref<16384xf32, #tpu.memory_space<vmem>>[vector<16xi32>], vector<16xf32>,
        %broadcast_in_dim3A_349 = arith.constant 15 : i32
        %broadcast_in_dim3A_350 = vector.broadcast %broadcast_in_dim3A_349 : i32 to vector<16xi32>
        %broadcast_in_dim3A_351 = vector.shape_cast %broadcast_in_dim3A_350 : vector<16xi32> to vector<16x1xi32>
        %gather3A_352 = vector.shape_cast %broadcast_in_dim3A_351 : vector<16x1xi32> to vector<16xi32>
        %gather3A_353 = tpu.dynamic_gather %gather3A_153[%gather3A_352] in [0] : vector<16xi32>, vector<16xi32> -> vector<16xi32>
        %mul3A_354 = arith.constant 32 : i32
        %mul3A_355 = vector.broadcast %mul3A_354 : i32 to vector<16xi32>
        %mul3A_356 = arith.muli %gather3A_353, %mul3A_355 : vector<16xi32>
        %add3A_357 = arith.addi %mul3A_356, %add3A_7 : vector<16xi32>
        %add3A_358 = arith.addi %add3A_357, %broadcast_in_dim3A_8 : vector<16xi32>
        %gather3A_359 = tpu.vector_load_idx %arg6[%add3A_358] : memref<16384xf32, #tpu.memory_space<vmem>>[vector<16xi32>], vector<16xf32>,
        %add3A_360 = arith.addi %add3A_357, %broadcast_in_dim3A_10 : vector<16xi32>
        %gather3A_361 = tpu.vector_load_idx %arg6[%add3A_360] : memref<16384xf32, #tpu.memory_space<vmem>>[vector<16xi32>], vector<16xf32>,
        %mul3A_362 = arith.constant 512 : i32
        %mul3A_363 = arith.muli %scan3A_146, %mul3A_362 : i32
        %add3A_364 = arith.constant 0 : i32
        %add3A_365 = arith.addi %mul3A_363, %add3A_364 : i32
        %swap3A = arith.constant 0 : i32
        %swap3A_366 = tpu.memref_slice %arg8[%scan3A_126, %swap3A] : memref<2x32768xf32, #tpu.memory_space<vmem>> -> memref<1x32768xf32, #tpu.memory_space<vmem>>
        %swap3A_367 = tpu.memref_squeeze %swap3A_366 : memref<1x32768xf32, #tpu.memory_space<vmem>> -> memref<32768xf32, #tpu.memory_space<vmem>>
        %swap3A_368 = arith.index_cast %add3A_365 : i32 to index
        %swap3A_369 = tpu.vector_load %swap3A_367[%swap3A_368] {strides = array<i32>} : memref<32768xf32, #tpu.memory_space<vmem>>, vector<16xf32>,
        tpu.vector_store %swap3A_367[%swap3A_368], %gather3A_164 {strides = array<i32>} : memref<32768xf32, #tpu.memory_space<vmem>>, vector<16xf32>,
        %add3A_370 = arith.constant 16 : i32
        %add3A_371 = arith.addi %mul3A_363, %add3A_370 : i32
        %swap3A_372 = arith.constant 0 : i32
        %swap3A_373 = tpu.memref_slice %arg8[%scan3A_126, %swap3A_372] : memref<2x32768xf32, #tpu.memory_space<vmem>> -> memref<1x32768xf32, #tpu.memory_space<vmem>>
        %swap3A_374 = tpu.memref_squeeze %swap3A_373 : memref<1x32768xf32, #tpu.memory_space<vmem>> -> memref<32768xf32, #tpu.memory_space<vmem>>
        %swap3A_375 = arith.index_cast %add3A_371 : i32 to index
        %swap3A_376 = tpu.vector_load %swap3A_374[%swap3A_375] {strides = array<i32>} : memref<32768xf32, #tpu.memory_space<vmem>>, vector<16xf32>,
        tpu.vector_store %swap3A_374[%swap3A_375], %gather3A_166 {strides = array<i32>} : memref<32768xf32, #tpu.memory_space<vmem>>, vector<16xf32>,
        %add3A_377 = arith.constant 32 : i32
        %add3A_378 = arith.addi %mul3A_363, %add3A_377 : i32
        %swap3A_379 = arith.constant 0 : i32
        %swap3A_380 = tpu.memref_slice %arg8[%scan3A_126, %swap3A_379] : memref<2x32768xf32, #tpu.memory_space<vmem>> -> memref<1x32768xf32, #tpu.memory_space<vmem>>
        %swap3A_381 = tpu.memref_squeeze %swap3A_380 : memref<1x32768xf32, #tpu.memory_space<vmem>> -> memref<32768xf32, #tpu.memory_space<vmem>>
        %swap3A_382 = arith.index_cast %add3A_378 : i32 to index
        %swap3A_383 = tpu.vector_load %swap3A_381[%swap3A_382] {strides = array<i32>} : memref<32768xf32, #tpu.memory_space<vmem>>, vector<16xf32>,
        tpu.vector_store %swap3A_381[%swap3A_382], %gather3A_177 {strides = array<i32>} : memref<32768xf32, #tpu.memory_space<vmem>>, vector<16xf32>,
        %add3A_384 = arith.constant 48 : i32
        %add3A_385 = arith.addi %mul3A_363, %add3A_384 : i32
        %swap3A_386 = arith.constant 0 : i32
        %swap3A_387 = tpu.memref_slice %arg8[%scan3A_126, %swap3A_386] : memref<2x32768xf32, #tpu.memory_space<vmem>> -> memref<1x32768xf32, #tpu.memory_space<vmem>>
        %swap3A_388 = tpu.memref_squeeze %swap3A_387 : memref<1x32768xf32, #tpu.memory_space<vmem>> -> memref<32768xf32, #tpu.memory_space<vmem>>
        %swap3A_389 = arith.index_cast %add3A_385 : i32 to index
        %swap3A_390 = tpu.vector_load %swap3A_388[%swap3A_389] {strides = array<i32>} : memref<32768xf32, #tpu.memory_space<vmem>>, vector<16xf32>,
        tpu.vector_store %swap3A_388[%swap3A_389], %gather3A_179 {strides = array<i32>} : memref<32768xf32, #tpu.memory_space<vmem>>, vector<16xf32>,
        %add3A_391 = arith.constant 64 : i32
        %add3A_392 = arith.addi %mul3A_363, %add3A_391 : i32
        %swap3A_393 = arith.constant 0 : i32
        %swap3A_394 = tpu.memref_slice %arg8[%scan3A_126, %swap3A_393] : memref<2x32768xf32, #tpu.memory_space<vmem>> -> memref<1x32768xf32, #tpu.memory_space<vmem>>
        %swap3A_395 = tpu.memref_squeeze %swap3A_394 : memref<1x32768xf32, #tpu.memory_space<vmem>> -> memref<32768xf32, #tpu.memory_space<vmem>>
        %swap3A_396 = arith.index_cast %add3A_392 : i32 to index
        %swap3A_397 = tpu.vector_load %swap3A_395[%swap3A_396] {strides = array<i32>} : memref<32768xf32, #tpu.memory_space<vmem>>, vector<16xf32>,
        tpu.vector_store %swap3A_395[%swap3A_396], %gather3A_190 {strides = array<i32>} : memref<32768xf32, #tpu.memory_space<vmem>>, vector<16xf32>,
        %add3A_398 = arith.constant 80 : i32
        %add3A_399 = arith.addi %mul3A_363, %add3A_398 : i32
        %swap3A_400 = arith.constant 0 : i32
        %swap3A_401 = tpu.memref_slice %arg8[%scan3A_126, %swap3A_400] : memref<2x32768xf32, #tpu.memory_space<vmem>> -> memref<1x32768xf32, #tpu.memory_space<vmem>>
        %swap3A_402 = tpu.memref_squeeze %swap3A_401 : memref<1x32768xf32, #tpu.memory_space<vmem>> -> memref<32768xf32, #tpu.memory_space<vmem>>
        %swap3A_403 = arith.index_cast %add3A_399 : i32 to index
        %swap3A_404 = tpu.vector_load %swap3A_402[%swap3A_403] {strides = array<i32>} : memref<32768xf32, #tpu.memory_space<vmem>>, vector<16xf32>,
        tpu.vector_store %swap3A_402[%swap3A_403], %gather3A_192 {strides = array<i32>} : memref<32768xf32, #tpu.memory_space<vmem>>, vector<16xf32>,
        %add3A_405 = arith.constant 96 : i32
        %add3A_406 = arith.addi %mul3A_363, %add3A_405 : i32
        %swap3A_407 = arith.constant 0 : i32
        %swap3A_408 = tpu.memref_slice %arg8[%scan3A_126, %swap3A_407] : memref<2x32768xf32, #tpu.memory_space<vmem>> -> memref<1x32768xf32, #tpu.memory_space<vmem>>
        %swap3A_409 = tpu.memref_squeeze %swap3A_408 : memref<1x32768xf32, #tpu.memory_space<vmem>> -> memref<32768xf32, #tpu.memory_space<vmem>>
        %swap3A_410 = arith.index_cast %add3A_406 : i32 to index
        %swap3A_411 = tpu.vector_load %swap3A_409[%swap3A_410] {strides = array<i32>} : memref<32768xf32, #tpu.memory_space<vmem>>, vector<16xf32>,
        tpu.vector_store %swap3A_409[%swap3A_410], %gather3A_203 {strides = array<i32>} : memref<32768xf32, #tpu.memory_space<vmem>>, vector<16xf32>,
        %add3A_412 = arith.constant 112 : i32
        %add3A_413 = arith.addi %mul3A_363, %add3A_412 : i32
        %swap3A_414 = arith.constant 0 : i32
        %swap3A_415 = tpu.memref_slice %arg8[%scan3A_126, %swap3A_414] : memref<2x32768xf32, #tpu.memory_space<vmem>> -> memref<1x32768xf32, #tpu.memory_space<vmem>>
        %swap3A_416 = tpu.memref_squeeze %swap3A_415 : memref<1x32768xf32, #tpu.memory_space<vmem>> -> memref<32768xf32, #tpu.memory_space<vmem>>
        %swap3A_417 = arith.index_cast %add3A_413 : i32 to index
        %swap3A_418 = tpu.vector_load %swap3A_416[%swap3A_417] {strides = array<i32>} : memref<32768xf32, #tpu.memory_space<vmem>>, vector<16xf32>,
        tpu.vector_store %swap3A_416[%swap3A_417], %gather3A_205 {strides = array<i32>} : memref<32768xf32, #tpu.memory_space<vmem>>, vector<16xf32>,
        %add3A_419 = arith.constant 128 : i32
        %add3A_420 = arith.addi %mul3A_363, %add3A_419 : i32
        %swap3A_421 = arith.constant 0 : i32
        %swap3A_422 = tpu.memref_slice %arg8[%scan3A_126, %swap3A_421] : memref<2x32768xf32, #tpu.memory_space<vmem>> -> memref<1x32768xf32, #tpu.memory_space<vmem>>
        %swap3A_423 = tpu.memref_squeeze %swap3A_422 : memref<1x32768xf32, #tpu.memory_space<vmem>> -> memref<32768xf32, #tpu.memory_space<vmem>>
        %swap3A_424 = arith.index_cast %add3A_420 : i32 to index
        %swap3A_425 = tpu.vector_load %swap3A_423[%swap3A_424] {strides = array<i32>} : memref<32768xf32, #tpu.memory_space<vmem>>, vector<16xf32>,
        tpu.vector_store %swap3A_423[%swap3A_424], %gather3A_216 {strides = array<i32>} : memref<32768xf32, #tpu.memory_space<vmem>>, vector<16xf32>,
        %add3A_426 = arith.constant 144 : i32
        %add3A_427 = arith.addi %mul3A_363, %add3A_426 : i32
        %swap3A_428 = arith.constant 0 : i32
        %swap3A_429 = tpu.memref_slice %arg8[%scan3A_126, %swap3A_428] : memref<2x32768xf32, #tpu.memory_space<vmem>> -> memref<1x32768xf32, #tpu.memory_space<vmem>>
        %swap3A_430 = tpu.memref_squeeze %swap3A_429 : memref<1x32768xf32, #tpu.memory_space<vmem>> -> memref<32768xf32, #tpu.memory_space<vmem>>
        %swap3A_431 = arith.index_cast %add3A_427 : i32 to index
        %swap3A_432 = tpu.vector_load %swap3A_430[%swap3A_431] {strides = array<i32>} : memref<32768xf32, #tpu.memory_space<vmem>>, vector<16xf32>,
        tpu.vector_store %swap3A_430[%swap3A_431], %gather3A_218 {strides = array<i32>} : memref<32768xf32, #tpu.memory_space<vmem>>, vector<16xf32>,
        %add3A_433 = arith.constant 160 : i32
        %add3A_434 = arith.addi %mul3A_363, %add3A_433 : i32
        %swap3A_435 = arith.constant 0 : i32
        %swap3A_436 = tpu.memref_slice %arg8[%scan3A_126, %swap3A_435] : memref<2x32768xf32, #tpu.memory_space<vmem>> -> memref<1x32768xf32, #tpu.memory_space<vmem>>
        %swap3A_437 = tpu.memref_squeeze %swap3A_436 : memref<1x32768xf32, #tpu.memory_space<vmem>> -> memref<32768xf32, #tpu.memory_space<vmem>>
        %swap3A_438 = arith.index_cast %add3A_434 : i32 to index
        %swap3A_439 = tpu.vector_load %swap3A_437[%swap3A_438] {strides = array<i32>} : memref<32768xf32, #tpu.memory_space<vmem>>, vector<16xf32>,
        tpu.vector_store %swap3A_437[%swap3A_438], %gather3A_229 {strides = array<i32>} : memref<32768xf32, #tpu.memory_space<vmem>>, vector<16xf32>,
        %add3A_440 = arith.constant 176 : i32
        %add3A_441 = arith.addi %mul3A_363, %add3A_440 : i32
        %swap3A_442 = arith.constant 0 : i32
        %swap3A_443 = tpu.memref_slice %arg8[%scan3A_126, %swap3A_442] : memref<2x32768xf32, #tpu.memory_space<vmem>> -> memref<1x32768xf32, #tpu.memory_space<vmem>>
        %swap3A_444 = tpu.memref_squeeze %swap3A_443 : memref<1x32768xf32, #tpu.memory_space<vmem>> -> memref<32768xf32, #tpu.memory_space<vmem>>
        %swap3A_445 = arith.index_cast %add3A_441 : i32 to index
        %swap3A_446 = tpu.vector_load %swap3A_444[%swap3A_445] {strides = array<i32>} : memref<32768xf32, #tpu.memory_space<vmem>>, vector<16xf32>,
        tpu.vector_store %swap3A_444[%swap3A_445], %gather3A_231 {strides = array<i32>} : memref<32768xf32, #tpu.memory_space<vmem>>, vector<16xf32>,
        %add3A_447 = arith.constant 192 : i32
        %add3A_448 = arith.addi %mul3A_363, %add3A_447 : i32
        %swap3A_449 = arith.constant 0 : i32
        %swap3A_450 = tpu.memref_slice %arg8[%scan3A_126, %swap3A_449] : memref<2x32768xf32, #tpu.memory_space<vmem>> -> memref<1x32768xf32, #tpu.memory_space<vmem>>
        %swap3A_451 = tpu.memref_squeeze %swap3A_450 : memref<1x32768xf32, #tpu.memory_space<vmem>> -> memref<32768xf32, #tpu.memory_space<vmem>>
        %swap3A_452 = arith.index_cast %add3A_448 : i32 to index
        %swap3A_453 = tpu.vector_load %swap3A_451[%swap3A_452] {strides = array<i32>} : memref<32768xf32, #tpu.memory_space<vmem>>, vector<16xf32>,
        tpu.vector_store %swap3A_451[%swap3A_452], %gather3A_242 {strides = array<i32>} : memref<32768xf32, #tpu.memory_space<vmem>>, vector<16xf32>,
        %add3A_454 = arith.constant 208 : i32
        %add3A_455 = arith.addi %mul3A_363, %add3A_454 : i32
        %swap3A_456 = arith.constant 0 : i32
        %swap3A_457 = tpu.memref_slice %arg8[%scan3A_126, %swap3A_456] : memref<2x32768xf32, #tpu.memory_space<vmem>> -> memref<1x32768xf32, #tpu.memory_space<vmem>>
        %swap3A_458 = tpu.memref_squeeze %swap3A_457 : memref<1x32768xf32, #tpu.memory_space<vmem>> -> memref<32768xf32, #tpu.memory_space<vmem>>
        %swap3A_459 = arith.index_cast %add3A_455 : i32 to index
        %swap3A_460 = tpu.vector_load %swap3A_458[%swap3A_459] {strides = array<i32>} : memref<32768xf32, #tpu.memory_space<vmem>>, vector<16xf32>,
        tpu.vector_store %swap3A_458[%swap3A_459], %gather3A_244 {strides = array<i32>} : memref<32768xf32, #tpu.memory_space<vmem>>, vector<16xf32>,
        %add3A_461 = arith.constant 224 : i32
        %add3A_462 = arith.addi %mul3A_363, %add3A_461 : i32
        %swap3A_463 = arith.constant 0 : i32
        %swap3A_464 = tpu.memref_slice %arg8[%scan3A_126, %swap3A_463] : memref<2x32768xf32, #tpu.memory_space<vmem>> -> memref<1x32768xf32, #tpu.memory_space<vmem>>
        %swap3A_465 = tpu.memref_squeeze %swap3A_464 : memref<1x32768xf32, #tpu.memory_space<vmem>> -> memref<32768xf32, #tpu.memory_space<vmem>>
        %swap3A_466 = arith.index_cast %add3A_462 : i32 to index
        %swap3A_467 = tpu.vector_load %swap3A_465[%swap3A_466] {strides = array<i32>} : memref<32768xf32, #tpu.memory_space<vmem>>, vector<16xf32>,
        tpu.vector_store %swap3A_465[%swap3A_466], %gather3A_255 {strides = array<i32>} : memref<32768xf32, #tpu.memory_space<vmem>>, vector<16xf32>,
        %add3A_468 = arith.constant 240 : i32
        %add3A_469 = arith.addi %mul3A_363, %add3A_468 : i32
        %swap3A_470 = arith.constant 0 : i32
        %swap3A_471 = tpu.memref_slice %arg8[%scan3A_126, %swap3A_470] : memref<2x32768xf32, #tpu.memory_space<vmem>> -> memref<1x32768xf32, #tpu.memory_space<vmem>>
        %swap3A_472 = tpu.memref_squeeze %swap3A_471 : memref<1x32768xf32, #tpu.memory_space<vmem>> -> memref<32768xf32, #tpu.memory_space<vmem>>
        %swap3A_473 = arith.index_cast %add3A_469 : i32 to index
        %swap3A_474 = tpu.vector_load %swap3A_472[%swap3A_473] {strides = array<i32>} : memref<32768xf32, #tpu.memory_space<vmem>>, vector<16xf32>,
        tpu.vector_store %swap3A_472[%swap3A_473], %gather3A_257 {strides = array<i32>} : memref<32768xf32, #tpu.memory_space<vmem>>, vector<16xf32>,
        %add3A_475 = arith.constant 256 : i32
        %add3A_476 = arith.addi %mul3A_363, %add3A_475 : i32
        %swap3A_477 = arith.constant 0 : i32
        %swap3A_478 = tpu.memref_slice %arg8[%scan3A_126, %swap3A_477] : memref<2x32768xf32, #tpu.memory_space<vmem>> -> memref<1x32768xf32, #tpu.memory_space<vmem>>
        %swap3A_479 = tpu.memref_squeeze %swap3A_478 : memref<1x32768xf32, #tpu.memory_space<vmem>> -> memref<32768xf32, #tpu.memory_space<vmem>>
        %swap3A_480 = arith.index_cast %add3A_476 : i32 to index
        %swap3A_481 = tpu.vector_load %swap3A_479[%swap3A_480] {strides = array<i32>} : memref<32768xf32, #tpu.memory_space<vmem>>, vector<16xf32>,
        tpu.vector_store %swap3A_479[%swap3A_480], %gather3A_268 {strides = array<i32>} : memref<32768xf32, #tpu.memory_space<vmem>>, vector<16xf32>,
        %add3A_482 = arith.constant 272 : i32
        %add3A_483 = arith.addi %mul3A_363, %add3A_482 : i32
        %swap3A_484 = arith.constant 0 : i32
        %swap3A_485 = tpu.memref_slice %arg8[%scan3A_126, %swap3A_484] : memref<2x32768xf32, #tpu.memory_space<vmem>> -> memref<1x32768xf32, #tpu.memory_space<vmem>>
        %swap3A_486 = tpu.memref_squeeze %swap3A_485 : memref<1x32768xf32, #tpu.memory_space<vmem>> -> memref<32768xf32, #tpu.memory_space<vmem>>
        %swap3A_487 = arith.index_cast %add3A_483 : i32 to index
        %swap3A_488 = tpu.vector_load %swap3A_486[%swap3A_487] {strides = array<i32>} : memref<32768xf32, #tpu.memory_space<vmem>>, vector<16xf32>,
        tpu.vector_store %swap3A_486[%swap3A_487], %gather3A_270 {strides = array<i32>} : memref<32768xf32, #tpu.memory_space<vmem>>, vector<16xf32>,
        %add3A_489 = arith.constant 288 : i32
        %add3A_490 = arith.addi %mul3A_363, %add3A_489 : i32
        %swap3A_491 = arith.constant 0 : i32
        %swap3A_492 = tpu.memref_slice %arg8[%scan3A_126, %swap3A_491] : memref<2x32768xf32, #tpu.memory_space<vmem>> -> memref<1x32768xf32, #tpu.memory_space<vmem>>
        %swap3A_493 = tpu.memref_squeeze %swap3A_492 : memref<1x32768xf32, #tpu.memory_space<vmem>> -> memref<32768xf32, #tpu.memory_space<vmem>>
        %swap3A_494 = arith.index_cast %add3A_490 : i32 to index
        %swap3A_495 = tpu.vector_load %swap3A_493[%swap3A_494] {strides = array<i32>} : memref<32768xf32, #tpu.memory_space<vmem>>, vector<16xf32>,
        tpu.vector_store %swap3A_493[%swap3A_494], %gather3A_281 {strides = array<i32>} : memref<32768xf32, #tpu.memory_space<vmem>>, vector<16xf32>,
        %add3A_496 = arith.constant 304 : i32
        %add3A_497 = arith.addi %mul3A_363, %add3A_496 : i32
        %swap3A_498 = arith.constant 0 : i32
        %swap3A_499 = tpu.memref_slice %arg8[%scan3A_126, %swap3A_498] : memref<2x32768xf32, #tpu.memory_space<vmem>> -> memref<1x32768xf32, #tpu.memory_space<vmem>>
        %swap3A_500 = tpu.memref_squeeze %swap3A_499 : memref<1x32768xf32, #tpu.memory_space<vmem>> -> memref<32768xf32, #tpu.memory_space<vmem>>
        %swap3A_501 = arith.index_cast %add3A_497 : i32 to index
        %swap3A_502 = tpu.vector_load %swap3A_500[%swap3A_501] {strides = array<i32>} : memref<32768xf32, #tpu.memory_space<vmem>>, vector<16xf32>,
        tpu.vector_store %swap3A_500[%swap3A_501], %gather3A_283 {strides = array<i32>} : memref<32768xf32, #tpu.memory_space<vmem>>, vector<16xf32>,
        %add3A_503 = arith.constant 320 : i32
        %add3A_504 = arith.addi %mul3A_363, %add3A_503 : i32
        %swap3A_505 = arith.constant 0 : i32
        %swap3A_506 = tpu.memref_slice %arg8[%scan3A_126, %swap3A_505] : memref<2x32768xf32, #tpu.memory_space<vmem>> -> memref<1x32768xf32, #tpu.memory_space<vmem>>
        %swap3A_507 = tpu.memref_squeeze %swap3A_506 : memref<1x32768xf32, #tpu.memory_space<vmem>> -> memref<32768xf32, #tpu.memory_space<vmem>>
        %swap3A_508 = arith.index_cast %add3A_504 : i32 to index
        %swap3A_509 = tpu.vector_load %swap3A_507[%swap3A_508] {strides = array<i32>} : memref<32768xf32, #tpu.memory_space<vmem>>, vector<16xf32>,
        tpu.vector_store %swap3A_507[%swap3A_508], %gather3A_294 {strides = array<i32>} : memref<32768xf32, #tpu.memory_space<vmem>>, vector<16xf32>,
        %add3A_510 = arith.constant 336 : i32
        %add3A_511 = arith.addi %mul3A_363, %add3A_510 : i32
        %swap3A_512 = arith.constant 0 : i32
        %swap3A_513 = tpu.memref_slice %arg8[%scan3A_126, %swap3A_512] : memref<2x32768xf32, #tpu.memory_space<vmem>> -> memref<1x32768xf32, #tpu.memory_space<vmem>>
        %swap3A_514 = tpu.memref_squeeze %swap3A_513 : memref<1x32768xf32, #tpu.memory_space<vmem>> -> memref<32768xf32, #tpu.memory_space<vmem>>
        %swap3A_515 = arith.index_cast %add3A_511 : i32 to index
        %swap3A_516 = tpu.vector_load %swap3A_514[%swap3A_515] {strides = array<i32>} : memref<32768xf32, #tpu.memory_space<vmem>>, vector<16xf32>,
        tpu.vector_store %swap3A_514[%swap3A_515], %gather3A_296 {strides = array<i32>} : memref<32768xf32, #tpu.memory_space<vmem>>, vector<16xf32>,
        %add3A_517 = arith.constant 352 : i32
        %add3A_518 = arith.addi %mul3A_363, %add3A_517 : i32
        %swap3A_519 = arith.constant 0 : i32
        %swap3A_520 = tpu.memref_slice %arg8[%scan3A_126, %swap3A_519] : memref<2x32768xf32, #tpu.memory_space<vmem>> -> memref<1x32768xf32, #tpu.memory_space<vmem>>
        %swap3A_521 = tpu.memref_squeeze %swap3A_520 : memref<1x32768xf32, #tpu.memory_space<vmem>> -> memref<32768xf32, #tpu.memory_space<vmem>>
        %swap3A_522 = arith.index_cast %add3A_518 : i32 to index
        %swap3A_523 = tpu.vector_load %swap3A_521[%swap3A_522] {strides = array<i32>} : memref<32768xf32, #tpu.memory_space<vmem>>, vector<16xf32>,
        tpu.vector_store %swap3A_521[%swap3A_522], %gather3A_307 {strides = array<i32>} : memref<32768xf32, #tpu.memory_space<vmem>>, vector<16xf32>,
        %add3A_524 = arith.constant 368 : i32
        %add3A_525 = arith.addi %mul3A_363, %add3A_524 : i32
        %swap3A_526 = arith.constant 0 : i32
        %swap3A_527 = tpu.memref_slice %arg8[%scan3A_126, %swap3A_526] : memref<2x32768xf32, #tpu.memory_space<vmem>> -> memref<1x32768xf32, #tpu.memory_space<vmem>>
        %swap3A_528 = tpu.memref_squeeze %swap3A_527 : memref<1x32768xf32, #tpu.memory_space<vmem>> -> memref<32768xf32, #tpu.memory_space<vmem>>
        %swap3A_529 = arith.index_cast %add3A_525 : i32 to index
        %swap3A_530 = tpu.vector_load %swap3A_528[%swap3A_529] {strides = array<i32>} : memref<32768xf32, #tpu.memory_space<vmem>>, vector<16xf32>,
        tpu.vector_store %swap3A_528[%swap3A_529], %gather3A_309 {strides = array<i32>} : memref<32768xf32, #tpu.memory_space<vmem>>, vector<16xf32>,
        %add3A_531 = arith.constant 384 : i32
        %add3A_532 = arith.addi %mul3A_363, %add3A_531 : i32
        %swap3A_533 = arith.constant 0 : i32
        %swap3A_534 = tpu.memref_slice %arg8[%scan3A_126, %swap3A_533] : memref<2x32768xf32, #tpu.memory_space<vmem>> -> memref<1x32768xf32, #tpu.memory_space<vmem>>
        %swap3A_535 = tpu.memref_squeeze %swap3A_534 : memref<1x32768xf32, #tpu.memory_space<vmem>> -> memref<32768xf32, #tpu.memory_space<vmem>>
        %swap3A_536 = arith.index_cast %add3A_532 : i32 to index
        %swap3A_537 = tpu.vector_load %swap3A_535[%swap3A_536] {strides = array<i32>} : memref<32768xf32, #tpu.memory_space<vmem>>, vector<16xf32>,
        tpu.vector_store %swap3A_535[%swap3A_536], %gather3A_320 {strides = array<i32>} : memref<32768xf32, #tpu.memory_space<vmem>>, vector<16xf32>,
        %add3A_538 = arith.constant 400 : i32
        %add3A_539 = arith.addi %mul3A_363, %add3A_538 : i32
        %swap3A_540 = arith.constant 0 : i32
        %swap3A_541 = tpu.memref_slice %arg8[%scan3A_126, %swap3A_540] : memref<2x32768xf32, #tpu.memory_space<vmem>> -> memref<1x32768xf32, #tpu.memory_space<vmem>>
        %swap3A_542 = tpu.memref_squeeze %swap3A_541 : memref<1x32768xf32, #tpu.memory_space<vmem>> -> memref<32768xf32, #tpu.memory_space<vmem>>
        %swap3A_543 = arith.index_cast %add3A_539 : i32 to index
        %swap3A_544 = tpu.vector_load %swap3A_542[%swap3A_543] {strides = array<i32>} : memref<32768xf32, #tpu.memory_space<vmem>>, vector<16xf32>,
        tpu.vector_store %swap3A_542[%swap3A_543], %gather3A_322 {strides = array<i32>} : memref<32768xf32, #tpu.memory_space<vmem>>, vector<16xf32>,
        %add3A_545 = arith.constant 416 : i32
        %add3A_546 = arith.addi %mul3A_363, %add3A_545 : i32
        %swap3A_547 = arith.constant 0 : i32
        %swap3A_548 = tpu.memref_slice %arg8[%scan3A_126, %swap3A_547] : memref<2x32768xf32, #tpu.memory_space<vmem>> -> memref<1x32768xf32, #tpu.memory_space<vmem>>
        %swap3A_549 = tpu.memref_squeeze %swap3A_548 : memref<1x32768xf32, #tpu.memory_space<vmem>> -> memref<32768xf32, #tpu.memory_space<vmem>>
        %swap3A_550 = arith.index_cast %add3A_546 : i32 to index
        %swap3A_551 = tpu.vector_load %swap3A_549[%swap3A_550] {strides = array<i32>} : memref<32768xf32, #tpu.memory_space<vmem>>, vector<16xf32>,
        tpu.vector_store %swap3A_549[%swap3A_550], %gather3A_333 {strides = array<i32>} : memref<32768xf32, #tpu.memory_space<vmem>>, vector<16xf32>,
        %add3A_552 = arith.constant 432 : i32
        %add3A_553 = arith.addi %mul3A_363, %add3A_552 : i32
        %swap3A_554 = arith.constant 0 : i32
        %swap3A_555 = tpu.memref_slice %arg8[%scan3A_126, %swap3A_554] : memref<2x32768xf32, #tpu.memory_space<vmem>> -> memref<1x32768xf32, #tpu.memory_space<vmem>>
        %swap3A_556 = tpu.memref_squeeze %swap3A_555 : memref<1x32768xf32, #tpu.memory_space<vmem>> -> memref<32768xf32, #tpu.memory_space<vmem>>
        %swap3A_557 = arith.index_cast %add3A_553 : i32 to index
        %swap3A_558 = tpu.vector_load %swap3A_556[%swap3A_557] {strides = array<i32>} : memref<32768xf32, #tpu.memory_space<vmem>>, vector<16xf32>,
        tpu.vector_store %swap3A_556[%swap3A_557], %gather3A_335 {strides = array<i32>} : memref<32768xf32, #tpu.memory_space<vmem>>, vector<16xf32>,
        %add3A_559 = arith.constant 448 : i32
        %add3A_560 = arith.addi %mul3A_363, %add3A_559 : i32
        %swap3A_561 = arith.constant 0 : i32
        %swap3A_562 = tpu.memref_slice %arg8[%scan3A_126, %swap3A_561] : memref<2x32768xf32, #tpu.memory_space<vmem>> -> memref<1x32768xf32, #tpu.memory_space<vmem>>
        %swap3A_563 = tpu.memref_squeeze %swap3A_562 : memref<1x32768xf32, #tpu.memory_space<vmem>> -> memref<32768xf32, #tpu.memory_space<vmem>>
        %swap3A_564 = arith.index_cast %add3A_560 : i32 to index
        %swap3A_565 = tpu.vector_load %swap3A_563[%swap3A_564] {strides = array<i32>} : memref<32768xf32, #tpu.memory_space<vmem>>, vector<16xf32>,
        tpu.vector_store %swap3A_563[%swap3A_564], %gather3A_346 {strides = array<i32>} : memref<32768xf32, #tpu.memory_space<vmem>>, vector<16xf32>,
        %add3A_566 = arith.constant 464 : i32
        %add3A_567 = arith.addi %mul3A_363, %add3A_566 : i32
        %swap3A_568 = arith.constant 0 : i32
        %swap3A_569 = tpu.memref_slice %arg8[%scan3A_126, %swap3A_568] : memref<2x32768xf32, #tpu.memory_space<vmem>> -> memref<1x32768xf32, #tpu.memory_space<vmem>>
        %swap3A_570 = tpu.memref_squeeze %swap3A_569 : memref<1x32768xf32, #tpu.memory_space<vmem>> -> memref<32768xf32, #tpu.memory_space<vmem>>
        %swap3A_571 = arith.index_cast %add3A_567 : i32 to index
        %swap3A_572 = tpu.vector_load %swap3A_570[%swap3A_571] {strides = array<i32>} : memref<32768xf32, #tpu.memory_space<vmem>>, vector<16xf32>,
        tpu.vector_store %swap3A_570[%swap3A_571], %gather3A_348 {strides = array<i32>} : memref<32768xf32, #tpu.memory_space<vmem>>, vector<16xf32>,
        %add3A_573 = arith.constant 480 : i32
        %add3A_574 = arith.addi %mul3A_363, %add3A_573 : i32
        %swap3A_575 = arith.constant 0 : i32
        %swap3A_576 = tpu.memref_slice %arg8[%scan3A_126, %swap3A_575] : memref<2x32768xf32, #tpu.memory_space<vmem>> -> memref<1x32768xf32, #tpu.memory_space<vmem>>
        %swap3A_577 = tpu.memref_squeeze %swap3A_576 : memref<1x32768xf32, #tpu.memory_space<vmem>> -> memref<32768xf32, #tpu.memory_space<vmem>>
        %swap3A_578 = arith.index_cast %add3A_574 : i32 to index
        %swap3A_579 = tpu.vector_load %swap3A_577[%swap3A_578] {strides = array<i32>} : memref<32768xf32, #tpu.memory_space<vmem>>, vector<16xf32>,
        tpu.vector_store %swap3A_577[%swap3A_578], %gather3A_359 {strides = array<i32>} : memref<32768xf32, #tpu.memory_space<vmem>>, vector<16xf32>,
        %add3A_580 = arith.constant 496 : i32
        %add3A_581 = arith.addi %mul3A_363, %add3A_580 : i32
        %swap3A_582 = arith.constant 0 : i32
        %swap3A_583 = tpu.memref_slice %arg8[%scan3A_126, %swap3A_582] : memref<2x32768xf32, #tpu.memory_space<vmem>> -> memref<1x32768xf32, #tpu.memory_space<vmem>>
        %swap3A_584 = tpu.memref_squeeze %swap3A_583 : memref<1x32768xf32, #tpu.memory_space<vmem>> -> memref<32768xf32, #tpu.memory_space<vmem>>
        %swap3A_585 = arith.index_cast %add3A_581 : i32 to index
        %swap3A_586 = tpu.vector_load %swap3A_584[%swap3A_585] {strides = array<i32>} : memref<32768xf32, #tpu.memory_space<vmem>>, vector<16xf32>,
        tpu.vector_store %swap3A_584[%swap3A_585], %gather3A_361 {strides = array<i32>} : memref<32768xf32, #tpu.memory_space<vmem>>, vector<16xf32>,
      }
      %scan3A_131 = arith.constant 64 : i32
      %dma_start3A_132 = arith.constant 1 : i32
      %dma_start3A_133 = arith.constant 0 : i32
      %dma_start3A_134 = tpu.memref_slice %arg8[%dma_start3A_132, %dma_start3A_133] : memref<2x32768xf32, #tpu.memory_space<vmem>> -> memref<1x32768xf32, #tpu.memory_space<vmem>>
      %dma_start3A_135 = tpu.memref_squeeze %dma_start3A_134 : memref<1x32768xf32, #tpu.memory_space<vmem>> -> memref<32768xf32, #tpu.memory_space<vmem>>
      %dma_start3A_136 = tpu.memref_slice %arg5[%mul3A_109] : memref<134217728xf32, #tpu.memory_space<hbm>> -> memref<32768xf32, #tpu.memory_space<hbm>>
      %dma_start3A_137 = tpu.memref_slice %arg5[%mul3A_109] : memref<134217728xf32, #tpu.memory_space<hbm>> -> memref<32768xf32, #tpu.memory_space<hbm>>
      %dma_start3A_138 = arith.constant 0 : i32
      %dma_start3A_139 = tpu.memref_slice %arg8[%dma_start3A_132, %dma_start3A_138] : memref<2x32768xf32, #tpu.memory_space<vmem>> -> memref<1x32768xf32, #tpu.memory_space<vmem>>
      %dma_start3A_140 = tpu.memref_squeeze %dma_start3A_139 : memref<1x32768xf32, #tpu.memory_space<vmem>> -> memref<32768xf32, #tpu.memory_space<vmem>>
      tpu.enqueue_dma source(%dma_start3A_140 : memref<32768xf32, #tpu.memory_space<vmem>>) target(%dma_start3A_137 : memref<32768xf32, #tpu.memory_space<hbm>>) target_semaphore(%arg13 : memref<!tpu.dma_semaphore, #tpu.memory_space<semaphore_mem>>)
      %lt3A_141 = arith.constant 63 : i32
      %lt3A_142 = arith.cmpi slt, %scan3A_59, %lt3A_141 : i32
      %convert_element_type3A_143 = arith.extui %lt3A_142 : i1 to i32
      %cond3A_144 = arith.constant 0 : i32
      %cond3A_145 = arith.cmpi ne, %convert_element_type3A_143, %cond3A_144 : i32
      scf.if %cond3A_145 {
        %add3A_146 = arith.constant 2048 : i32
        %add3A_147 = arith.addi %add3A_107, %add3A_146 : i32
        %dma_start3A_148 = arith.constant 1 : i32
        %dma_start3A_149 = arith.constant 0 : i32
        %dma_start3A_150 = tpu.memref_slice %arg7[%dma_start3A_148, %dma_start3A_149] : memref<2x1024xi32, #tpu.memory_space<vmem>> -> memref<1x1024xi32, #tpu.memory_space<vmem>>
        %dma_start3A_151 = tpu.memref_squeeze %dma_start3A_150 : memref<1x1024xi32, #tpu.memory_space<vmem>> -> memref<1024xi32, #tpu.memory_space<vmem>>
        %dma_start3A_152 = tpu.memref_slice %arg2[%add3A_147] : memref<4194304xi32, #tpu.memory_space<hbm>> -> memref<1024xi32, #tpu.memory_space<hbm>>
        %dma_start3A_153 = arith.constant 0 : i32
        %dma_start3A_154 = tpu.memref_slice %arg7[%dma_start3A_148, %dma_start3A_153] : memref<2x1024xi32, #tpu.memory_space<vmem>> -> memref<1x1024xi32, #tpu.memory_space<vmem>>
        %dma_start3A_155 = tpu.memref_squeeze %dma_start3A_154 : memref<1x1024xi32, #tpu.memory_space<vmem>> -> memref<1024xi32, #tpu.memory_space<vmem>>
        %dma_start3A_156 = tpu.memref_slice %arg2[%add3A_147] : memref<4194304xi32, #tpu.memory_space<hbm>> -> memref<1024xi32, #tpu.memory_space<hbm>>
        tpu.enqueue_dma source(%dma_start3A_156 : memref<1024xi32, #tpu.memory_space<hbm>>) target(%dma_start3A_155 : memref<1024xi32, #tpu.memory_space<vmem>>) target_semaphore(%arg11 : memref<!tpu.dma_semaphore, #tpu.memory_space<semaphore_mem>>)
      } else {
      }
    }
    %scan3A_33 = arith.constant 64 : i32
    %add3A_34 = arith.constant 129024 : i32
    %add3A_35 = arith.addi %mul3A_2, %add3A_34 : i32
    %mul3A_36 = arith.constant 32 : i32
    %mul3A_37 = arith.muli %add3A_35, %mul3A_36 : i32
    %dma_wait3A = arith.constant 0 : i32
    %dma_wait3A_38 = arith.constant 0 : i32
    %dma_wait3A_39 = tpu.memref_slice %arg8[%dma_wait3A, %dma_wait3A_38] : memref<2x32768xf32, #tpu.memory_space<vmem>> -> memref<1x32768xf32, #tpu.memory_space<vmem>>
    %dma_wait3A_40 = tpu.memref_squeeze %dma_wait3A_39 : memref<1x32768xf32, #tpu.memory_space<vmem>> -> memref<32768xf32, #tpu.memory_space<vmem>>
    %dma_wait3A_41 = tpu.memref_slice %arg5[%mul3A_37] : memref<134217728xf32, #tpu.memory_space<hbm>> -> memref<32768xf32, #tpu.memory_space<hbm>>
    %dma_wait3A_42 = tpu.memref_slice %arg5[%mul3A_37] : memref<134217728xf32, #tpu.memory_space<hbm>> -> memref<32768xf32, #tpu.memory_space<hbm>>
    %dma_wait3A_43 = arith.constant 0 : i32
    %dma_wait3A_44 = tpu.memref_slice %arg8[%dma_wait3A, %dma_wait3A_43] : memref<2x32768xf32, #tpu.memory_space<vmem>> -> memref<1x32768xf32, #tpu.memory_space<vmem>>
    %dma_wait3A_45 = tpu.memref_squeeze %dma_wait3A_44 : memref<1x32768xf32, #tpu.memory_space<vmem>> -> memref<32768xf32, #tpu.memory_space<vmem>>
    tpu.wait_dma2 semaphore(%arg12 : memref<!tpu.dma_semaphore, #tpu.memory_space<semaphore_mem>>) src(%dma_wait3A_45 : memref<32768xf32, #tpu.memory_space<vmem>>) dst(%dma_wait3A_42 : memref<32768xf32, #tpu.memory_space<hbm>>)
    %add3A_46 = arith.constant 1024 : i32
    %add3A_47 = arith.addi %add3A_35, %add3A_46 : i32
    %mul3A_48 = arith.constant 32 : i32
    %mul3A_49 = arith.muli %add3A_47, %mul3A_48 : i32
    %dma_wait3A_50 = arith.constant 1 : i32
    %dma_wait3A_51 = arith.constant 0 : i32
    %dma_wait3A_52 = tpu.memref_slice %arg8[%dma_wait3A_50, %dma_wait3A_51] : memref<2x32768xf32, #tpu.memory_space<vmem>> -> memref<1x32768xf32, #tpu.memory_space<vmem>>
    %dma_wait3A_53 = tpu.memref_squeeze %dma_wait3A_52 : memref<1x32768xf32, #tpu.memory_space<vmem>> -> memref<32768xf32, #tpu.memory_space<vmem>>
    %dma_wait3A_54 = tpu.memref_slice %arg5[%mul3A_49] : memref<134217728xf32, #tpu.memory_space<hbm>> -> memref<32768xf32, #tpu.memory_space<hbm>>
    %dma_wait3A_55 = tpu.memref_slice %arg5[%mul3A_49] : memref<134217728xf32, #tpu.memory_space<hbm>> -> memref<32768xf32, #tpu.memory_space<hbm>>
    %dma_wait3A_56 = arith.constant 0 : i32
    %dma_wait3A_57 = tpu.memref_slice %arg8[%dma_wait3A_50, %dma_wait3A_56] : memref<2x32768xf32, #tpu.memory_space<vmem>> -> memref<1x32768xf32, #tpu.memory_space<vmem>>
    %dma_wait3A_58 = tpu.memref_squeeze %dma_wait3A_57 : memref<1x32768xf32, #tpu.memory_space<vmem>> -> memref<32768xf32, #tpu.memory_space<vmem>>
    tpu.wait_dma2 semaphore(%arg13 : memref<!tpu.dma_semaphore, #tpu.memory_space<semaphore_mem>>) src(%dma_wait3A_58 : memref<32768xf32, #tpu.memory_space<vmem>>) dst(%dma_wait3A_55 : memref<32768xf32, #tpu.memory_space<hbm>>)
    return
  }
}

</mosaic_0001>

<sc_bundles>
// kernel: kernel.3.cloned.1.call-start
scs
__scs_entry_jumppad:
0x0: {  	(pc) =	sbr.rel $0x88, $3  }
0x1: {  	(tag) =	ssettag $0x0;
	lr =	simm.s32 $0x1  }
0x2: {  	[smem:$0x3F9E] =	sst lr;
	_ =	strace $0xD0000000  }
0x3: {  	_ = 	snop  }
0x4: {  	_ = 	snop  }
0x5: {  	_ = 	snop  }
0x6: {  	_ = 	snop  }
0x7: {  	_ = 	snop  }
__scs_overlays_trampoline_lowered:
0x8: {  	[smem:$0x3FAD] =	sst s0  }
0x9: {  	[smem:$0x3FAE] =	sst s1  }
0xa: {  	[smem:$0x3FAF] =	sst s2  }
0xb: {  	[smem:$0x3FB0] =	sst s3  }
0xc: {  	[smem:$0x3FB1] =	sst s4  }
0xd: {  	[smem:$0x3FB2] =	sst s5  }
0xe: {  	[smem:$0x3FB3] =	sst s6  }
0xf: {  	[smem:$0x3FB4] =	sst s7  }
0x10: {  	[smem:$0x3FB5] =	sst s8  }
0x11: {  	[smem:$0x3FB6] =	sst s9;
	s0 =	simm.s32 @!p0 $0x0  }
0x12: {  	s1 =	sld [smem:$0x3F9C];
	s0 =	simm.s32 @p0 $0x1  }
0x13: {  	[smem:$0x3FB7] =	sst s0;
	s0 =	simm.s32 @!p1 $0x0  }
0x14: {  	s2 =	sld [smem:$0x3F9B];
	s0 =	simm.s32 @p1 $0x1  }
0x15: {  	[smem:$0x3FB8] =	sst s0;
	s0 =	simm.s32 @!p2 $0x0  }
0x16: {  	s3 =	sld [smem:$0x3FDB];
	s0 =	simm.s32 @p2 $0x1  }
0x17: {  	s4 =	simm.s32 $0x1BF5;
	[smem:$0x3FBA] =	sst s0  }
0x18: {  	s0 =	sld [smem:$0x3F9D];
	_ =	swait.ge [sflag:s4], $0x0  }
0x19: {  	s7 =	sld [smem:$0x3F9E]  }
0x1a: {  	s8 =	sadd.s32 $0xFFFFE003, lr  }
0x1b: {  	s9 =	sadd.s32 $0xFFFFFEF7, lr;
	s5 =	simm.s32 $0xFFFFFFFF;
	p2 =	slt.u32 s8, $0xFFFFF086  }
0x1c: {  	p1 =	slt.u32 s9, $0xF7A;
	s5 =	simm.s32 @!p2 $0x0  }
0x1d: {  	s5 =	simm.s32 @p1 $0x1;
	p0 =	seq.s32 s7, s2  }
0x1e: {  	s7 =	smul.u32 @!p0 $0xF7A, s2;
	p2 =	seq.s32 @!p0 s5, $0x0  }
0x1f: {  	s9 =	smul.u32 $0xF7A, s1;
	s8 =	simm.s32 @!p0 $0x1BF5;
	p2 =	por !p2, p0  }
0x20: {  	[sflag:s8] =	ssyncset.s32 @!p0 $0xFFFFF086;
	s6 =	sadd.s32 @!p0 s3, s7;
	s7 =	simm.s32 @!p0 $0x108  }
0x21: {  	s3 =	sadd.s32 s3, s9;
	s6 =	sadd.s32 @!p0 $0x88, s6;
	s7 =	simm.s32 @p2 $0x1082  }
0x22: {  	[simem:s7], [sflag:s8] =	dma.local @!p0 [hbm:s6], $0xF7A  }
0x23: {  	s9 =	sor.u32 $0xD0000000, s2;
	s6 =	simm.s32 $0x108;
	_ =	swait.ge @!p0 [sflag:s8], $0x0  }
0x24: {  	s3 =	sadd.s32 $0x88, s3;
	s6 =	simm.s32 @!p1 $0x1082;
	[sflag:s4] =	ssyncset.s32 $0xFFFFF086  }
0x25: {  	[simem:s6], [sflag:s4] =	dma.local [hbm:s3], $0xF7A  }
0x26: {  	[smem:$0x3F9E] =	sst s1;
	(tag) =	ssettag s2;
	_ =	strace s9  }
0x27: {  	s1 =	sld [smem:$0x3FAE]  }
0x28: {  	s2 =	sld [smem:$0x3FAF]  }
0x29: {  	s4 =	sld [smem:$0x3FB1]  }
0x2a: {  	p0 =	seq.s32 s5, $0x0;
	s5 =	sld [smem:$0x3FB2]  }
0x2b: {  	s6 =	sld [smem:$0x3FB3]  }
0x2c: {  	s7 =	sld [smem:$0x3FB4]  }
0x2d: {  	s3 =	simm.s32 $0x108;
	s8 =	sld [smem:$0x3FB5]  }
0x2e: {  	s3 =	simm.s32 @!p0 $0x1082;
	s9 =	sld [smem:$0x3FB6]  }
0x2f: {  	lr =	sadd.s32 s0, s3;
	s0 =	sld [smem:$0x3FAD]  }
0x30: {  	s3 =	sld [smem:$0x3FB0]  }
0x31: {  	[smem:$0x3FB9] =	sst s10  }
0x32: {  	s10 =	sld [smem:$0x3FB7];
	_ =	sdelay $0x3  }
0x33: {  	p0 =	seq.s32 s10, $0x1;
	s10 =	sld [smem:$0x3FB9];
	_ =	sdelay $0x3  }
0x34: {  	[smem:$0x3FB9] =	sst s10  }
0x35: {  	s10 =	sld [smem:$0x3FB8];
	_ =	sdelay $0x3  }
0x36: {  	p1 =	seq.s32 s10, $0x1;
	s10 =	sld [smem:$0x3FB9];
	_ =	sdelay $0x3  }
0x37: {  	[smem:$0x3FB9] =	sst s10  }
0x38: {  	s10 =	sld [smem:$0x3FBA]  }
0x39: {  	_ = 	snop;
	(pc) =	sbr.ind lr, $3  }
0x3a: {  	_ = 	snop  }
0x3b: {  	_ = 	snop  }
0x3c: {  	p2 =	seq.s32 s10, $0x1;
	s10 =	sld [smem:$0x3FB9]  }
0x3d: {  	_ =	shalt  }
0x3e: {  	_ =	shalt  }
0x3f: {  	_ =	shalt  }
0x40: {  	_ =	shalt  }
0x41: {  	_ =	shalt  }
0x42: {  	_ =	shalt  }
0x43: {  	_ =	shalt  }
0x44: {  	_ =	shalt  }
0x45: {  	_ =	shalt  }
0x46: {  	_ =	shalt  }
0x47: {  	_ =	shalt  }
0x48: {  	_ =	shalt  }
0x49: {  	_ =	shalt  }
0x4a: {  	_ =	shalt  }
0x4b: {  	_ =	shalt  }
0x4c: {  	_ =	shalt  }
0x4d: {  	_ =	shalt  }
0x4e: {  	_ =	shalt  }
0x4f: {  	_ =	shalt  }
0x50: {  	_ =	shalt  }
0x51: {  	_ =	shalt  }
0x52: {  	_ =	shalt  }
0x53: {  	_ =	shalt  }
0x54: {  	_ =	shalt  }
0x55: {  	_ =	shalt  }
0x56: {  	_ =	shalt  }
0x57: {  	_ =	shalt  }
0x58: {  	_ =	shalt  }
0x59: {  	_ =	shalt  }
0x5a: {  	_ =	shalt  }
0x5b: {  	_ =	shalt  }
0x5c: {  	_ =	shalt  }
0x5d: {  	_ =	shalt  }
0x5e: {  	_ =	shalt  }
0x5f: {  	_ =	shalt  }
0x60: {  	_ =	shalt  }
0x61: {  	_ =	shalt  }
0x62: {  	_ =	shalt  }
0x63: {  	_ =	shalt  }
0x64: {  	_ =	shalt  }
0x65: {  	_ =	shalt  }
0x66: {  	_ =	shalt  }
0x67: {  	_ =	shalt  }
0x68: {  	_ =	shalt  }
0x69: {  	_ =	shalt  }
0x6a: {  	_ =	shalt  }
0x6b: {  	_ =	shalt  }
0x6c: {  	_ =	shalt  }
0x6d: {  	_ =	shalt  }
0x6e: {  	_ =	shalt  }
0x6f: {  	_ =	shalt  }
0x70: {  	_ =	shalt  }
0x71: {  	_ =	shalt  }
0x72: {  	_ =	shalt  }
0x73: {  	_ =	shalt  }
0x74: {  	_ =	shalt  }
0x75: {  	_ =	shalt  }
0x76: {  	_ =	shalt  }
0x77: {  	_ =	shalt  }
0x78: {  	_ =	shalt  }
0x79: {  	_ =	shalt  }
0x7a: {  	_ =	shalt  }
0x7b: {  	_ =	shalt  }
0x7c: {  	_ =	shalt  }
0x7d: {  	_ =	shalt  }
0x7e: {  	_ =	shalt  }
0x7f: {  	_ =	shalt  }
0x80: {  	_ =	shalt  }
0x81: {  	_ =	shalt  }
0x82: {  	_ =	shalt  }
0x83: {  	_ =	shalt  }
0x84: {  	_ =	shalt  }
0x85: {  	_ =	shalt  }
0x86: {  	_ =	shalt  }
0x87: {  	_ =	shalt  }
.Lfunc_end0:
.L_simem_size_0:
called_computation.1_lowered:
.L_overlay_start_0:
0x88: {  	s2 =	sld [smem:$0x3FD9]  }
0x89: {  	s3 =	sld [smem:$0x3FFE];
	_ =	sdelay $0x1  }
0x8a: {  	s1 =	srdreg.scid  }
0x8b: {  	s0 =	sand.u32 $0x1, s1  }
0x8c: {  	s17 =	sshll.u32 s0, $0xA;
	s2 =	sadd.s32 s3, s2  }
0x8d: {  	s2 =	sadd.s32 s2, s17  }
0x8e: {  	[smem:$0x3FC5] =	sst s2  }
0x8f: {  	_ = 	snop  }
0x90: {  	s2 =	sld [smem:$0x3FD0];
	(tm) =	ssettm $0x1  }
0x91: {  	s18 =	sld [smem:$0x3FFB];
	_ =	sdelay $0x3  }
0x92: {  	_ =	strace s18  }
0x93: {  	s3 =	sld [smem:$0x3FFC];
	_ =	sdelay $0x3  }
0x94: {  	_ =	strace s3  }
0x95: {  	s3 =	sld [smem:$0x3FFD];
	_ =	sdelay $0x3  }
0x96: {  	_ =	strace s3  }
0x97: {  	_ =	strace $0x8FFFFFFF  }
0x98: {  	s19 =	sld [smem:$0x3FDB];
	_ =	sdelay $0x1  }
0x99: {  	s4 =	simm.s32 $_scs_section_size  }
0x9a: {  	s5 =	simm.s32 $_size__tile_overlayer_lowered;
	s6 =	simm.s32 $_tile_overlayer_lowered  }
0x9b: {  	s22 =	simm.s32 $0x1BFF;
	s21 =	sshll.u32 s6, $0x1;
	s3 =	sadd.s32 s4, s19  }
0x9c: {  	s7 =	simm.s32 $0x0;
	s20 =	sshll.u32 s5, $0x1;
	s5 =	sadd.s32 s21, s3  }
0x9d: {  	[timem:s7], [sflag:s22] =	dma.local [hbm:s5], s20  }
0x9e: {  	_ =	swait.ge [sflag:s22], s20  }
0x9f: {  	s4 =	ssub.s32 $0x0, s20;
	[sflag:s22] =	ssyncset.done $0x0  }
0xa0: {  	[sflag:s22] =	ssyncadd.s32 s4;
	_ =	sdelay $0x1  }
0xa1: {  	s23 =	simm.s32 $0x1B8B  }
0xa2: {  	_ =	swait.ge [sflag:s23], $0x1  }
0xa3: {  	[sflag:s23] =	ssyncset.done $0x0  }
0xa4: {  	s25 =	simm.s32 $0x1B8E;
	s24 =	sld [smem:$0x3FFE];
	[sflag:s23] =	ssyncadd.s32 $0xFFFFFFFF  }
0xa5: {  	s26 =	simm.s32 $execute0_lowered;
	[smem:$0x3FD2] =	sst s25  }
0xa6: {  	s5 =	sshll.u32 s26, $0x1;
	_ =	strace $0x80000046;
	[dreg:$0x1] =	wrdreg $0xFFFFFFFF  }
0xa7: {  	s28 =	simm.s32 $_size_execute0_lowered;
	s3 =	sadd.s32 s3, s5;
	[dreg:$0x0] =	wrdreg $0x0  }
0xa8: {  	s5 =	sshll.u32 s28, $0x1;
	[dreg:$0x2] =	wrdreg s3  }
0xa9: {  	[dreg:$0x3] =	wrdreg s5  }
0xaa: {  	[dreg:$0x4] =	wrdreg $0xC0  }
0xab: {  	_ =	task [dreg:s7], $0x5FFFF  }
0xac: {  	[dreg:$0x1] =	wrdreg $0xFFFFFFFF  }
0xad: {  	[dreg:$0x0] =	wrdreg $0x60  }
0xae: {  	[dreg:$0x2] =	wrdreg s24  }
0xaf: {  	[dreg:$0x3] =	wrdreg s2  }
0xb0: {  	[dreg:$0x4] =	wrdreg $0x9  }
0xb1: {  	_ =	task.clear_ibuf [dreg:s7], $0x5FFFF;
	_ =	strace $0x90000046  }
0xb2: {  	s29 =	simm.s32 $0x9;
	_ =	strace $0x80000048  }
0xb3: {  	_ =	swait.ge [sflag:s29], $0x1  }
0xb4: {  	[sflag:s29] =	ssyncadd.s32 $0xFFFFFFFF  }
0xb5: {  	_ =	strace $0x90000048  }
0xb6: {  	_ =	sfence  }
0xb7: {  	s30 =	sld [smem:$0x0];
	_ =	sdelay $0x2  }
0xb8: {  	s31 =	sshll.u32 s1, $0xD;
	s1 =	sshrl.u32 s1, $0x2  }
0xb9: {  	s3 =	sand.u32 $0x4000, s31;
	s1 =	sadd.s32 s1, s30  }
0xba: {  	s0 =	sor.u32 s3, s0;
	s1 =	sshll.u32 s1, $0x11  }
0xbb: {  	s0 =	sor.u32 s1, s0  }
0xbc: {  	s0 =	sadd.s32 $0x8F2B, s0  }
0xbd: {  	[sflag:s0] =	ssyncadd.remote.s32 $0x1  }
0xbe: {  	_ =	sfence.sel $0xFFFF  }
0xbf: {  	[dreg:$0x0] =	wrdreg $0xFFFFFFFF;
	(pc) =	sbr.abs _section_cstart, $3  }
0xc0: {  	[dreg:$0x1] =	wrdreg $0xFFFFFFFF  }
0xc1: {  	_ =	task.clear_ibuf [dreg:s7], $0x2FFFF;
	_ =	strace $0x9FFFFFFF  }
0xc2: {  	(tm) =	ssettm $0x7FFFFFFF  }
0xc3: {  	_ =	shalt  }
tec
execute0_lowered:
.L_overlay_start_1:
0x0: {  	(tag) =	ssettag $0x1  }
0x1: {  	s7 =	rddreg [dreg:$0x0]  }
0x2: {  	s2 =	rddreg [dreg:$0x1]  }
0x3: {  	s0 =	rddreg [dreg:$0x2];
	s4 =	srdreg.scid;
	s3 =	simm.s32 $0x0  }
0x4: {  	s1 =	stileid.u32;
	s12 =	simm.s32 $0x14800;
	s13 =	simm.s32 $0x5  }
0x5: {  	s14 =	simm.s32 $0x4000;
	s15 =	simm.s32 $0x4400;
	s16 =	simm.s32 $0x1  }
0x6: {  	s17 =	simm.s32 $0x4800;
	s18 =	simm.s32 $0x2;
	s19 =	simm.s32 $0xC800  }
0x7: {  	v0 =	vlaneseq.u32;
	s20 =	simm.s32 $0x3;
	s21 =	simm.s32 $0x4;
	s22 =	simm.s32 $0x0  }
0x8: {  	v1 =	vimm.s32 $0x0;
	v2 =	vimm.s32 $0x5;
	v5 =	vimm.s32 $0x1;
	s8 =	sand.u32 $0x1, s4;
	[smem:$0x7FF] =	sst s3;
	s5 =	sshll.u32 s1, $0x12  }
.Ltmp0:
0x9: {  	v6 =	vimm.s32 $0x2;
	v7 =	vimm.s32 $0x3;
	v8 =	vimm.s32 $0x4;
	s4 =	sadd.s32 $0x1000, s7;
	s6 =	sshll.u32 s8, $0x11;
	(pc) =	sbr.rel .LBB2_1-.Ltmp0, $4  }
0xa: {  	v9 =	vimm.s32 $0x6;
	v10 =	vimm.s32 $0x7;
	v11 =	vimm.s32 $0x8;
	_ =	strace $0x80000047;
	s9 =	ssub.s32 $0x2, s8;
	s5 =	sor.u32 s6, s5  }
0xb: {  	v12 =	vimm.s32 $0x9;
	v13 =	vimm.s32 $0xA;
	v14 =	vimm.s32 $0xB;
	s6 =	sadd.s32 $0x81000, s7;
	s10 =	sshrl.u32 s9, $0x1;
	s31 =	sshrl.u32 s5, $0x3  }
0xc: {  	v15 =	vimm.s32 $0xC;
	v16 =	vimm.s32 $0xD;
	v3 =	vand.u32 $0x7, v0;
	s7 =	sadd.s32 $0x800, s7;
	s11 =	ssub.s32 s9, s10;
	s8 =	sadd.s32 s4, s31  }
0xd: {  	v17 =	vimm.s32 $0xE;
	v18 =	vimm.s32 $0xF;
	v4 =	vor.u32 $0x10, v3;
	s10 =	sor.u32 $0x1FC00, s5;
	s11 =	smax.u32 s11, $0x1;
	s9 =	sadd.s32 $0x80, s8  }
.LBB2_10:
0xe: {  	s22 =	sadd.s32 $0x1, s22  }
0xf: {  	_ =	swait.ge [sflag:s20], $0x8000;
	p0 =	sne.s32 s22, s11  }
.Ltmp1:
0x10: {  	[sflag:s20] =	ssyncset.done $0x0;
	(pc) =	sbr.rel @!p0 .LBB2_11-.Ltmp1, $4  }
0x11: {  	[sflag:s20] =	ssyncadd.s32 $0xFFFF8000  }
0x12: {  	_ =	swait.ge [sflag:s21], $0x8000  }
0x13: {  	[sflag:s21] =	ssyncset.done $0x0  }
0x14: {  	[sflag:s21] =	ssyncadd.s32 $0xFFFF8000  }
.LBB2_1:
0x15: {  	[tilespmem:s12], [sflag:$0x5] =	stream.linear.gather [hbm4b:s6+s3], $0x10, $0x38;
	[tilespmem:$0x14810] =	vst v63  }
0x16: {  	_ =	swait.ge [sflag:s13], $0x10  }
0x17: {  	[sflag:s13] =	ssyncset.done $0x0  }
0x18: {  	[sflag:s13] =	ssyncadd.s32 $0xFFFFFFF0  }
0x19: {  	[tilespmem:s3], [sflag:$0x5] =	stream.linear.gather [hbm4b:s7+s3], $0x4000, $0x38;
	[tilespmem:$0x14810] =	vst v63  }
0x1a: {  	_ =	swait.ge [sflag:s13], $0x4000  }
0x1b: {  	[sflag:s13] =	ssyncset.done $0x0  }
0x1c: {  	[sflag:s13] =	ssyncadd.s32 $0xFFFFC000  }
0x1d: {  	v19 =	vld [tilespmem:$0x14800];
	_ =	sdelay $0x3  }
0x1e: {  	[tilespmem:s14], [sflag:$0x1] =	stream.linear.gather [hbm4b:s8+s3], $0x400, $0x38;
	[tilespmem:$0x14810] =	vst v63  }
0x1f: {  	s23 =	simm.s32 $0x0;
	v19 =	vshll.u32 v19, $0x5  }
0x20: {  	[tilespmem:s15], [sflag:$0x2] =	stream.linear.gather [hbm4b:s9+s3], $0x400, $0x38;
	v19 =	vor.u32 v0, v19;
	[tilespmem:$0x14810] =	vst v63  }
.LBB2_2:
0x21: {  	p0 =	seq.s32 s23, $0x0  }
0x22: {  	s24 =	simm.s32 @!p0 $0x3  }
0x23: {  	s25 =	simm.s32 $0x0;
	_ =	swait.ge @!p0 [sflag:s24], $0x8000  }
0x24: {  	v20 =	vor.u32 s25, v0;
	[sflag:s24] =	ssyncset.done @!p0 $0x0  }
0x25: {  	[sflag:s24] =	ssyncadd.s32 @!p0 $0xFFFF8000  }
0x26: {  	_ =	swait.ge [sflag:s16], $0x400  }
0x27: {  	[sflag:s16] =	ssyncset.done $0x0  }
0x28: {  	[sflag:s16] =	ssyncadd.s32 $0xFFFFFC00  }
0x29: {  	v20 =	vld.idx.msk [tilespmem:v20+s14+$0x0], $0xffff;
	_ =	sdelay $0x4  }
0x2a: {  	v21 =	vperm.xlane v20, v1;
	_ =	sdelay $0x1  }
0x2b: {  	v22 =	vperm.xlane v20, v5;
	v21 =	vshll.u32 v21, $0x5  }
0x2c: {  	v21 =	vadd.s32 v19, v21  }
0x2d: {  	v23 =	vperm.xlane v20, v6;
	v22 =	vshll.u32 v22, $0x5;
	v21 =	vand.u32 $0xFFFFFFE8, v21  }
0x2e: {  	v25 =	vperm.xlane v20, v7;
	v22 =	vadd.s32 v19, v22;
	v24 =	vor.u32 v3, v21  }
0x2f: {  	v23 =	vshll.u32 v23, $0x5;
	v22 =	vand.u32 $0xFFFFFFE8, v22;
	v21 =	vor.u32 v4, v21  }
0x30: {  	v27 =	vperm.xlane v20, v8;
	v23 =	vadd.s32 v19, v23;
	v26 =	vor.u32 v3, v22  }
0x31: {  	v25 =	vshll.u32 v25, $0x5;
	v23 =	vand.u32 $0xFFFFFFE8, v23;
	v22 =	vor.u32 v4, v22  }
0x32: {  	v29 =	vperm.xlane v20, v2;
	v25 =	vadd.s32 v19, v25;
	v28 =	vor.u32 v3, v23  }
0x33: {  	v27 =	vshll.u32 v27, $0x5;
	v25 =	vand.u32 $0xFFFFFFE8, v25;
	v23 =	vor.u32 v4, v23;
	v24 =	vld.idx.msk [tilespmem:v24+s3+$0x0], $0xffff  }
0x34: {  	v31 =	vperm.xlane v20, v9;
	v27 =	vadd.s32 v19, v27;
	v30 =	vor.u32 v3, v25;
	v21 =	vld.idx.msk [tilespmem:v21+s3+$0x0], $0xffff  }
0x35: {  	v29 =	vshll.u32 v29, $0x5;
	v27 =	vand.u32 $0xFFFFFFE8, v27;
	v25 =	vor.u32 v4, v25;
	v26 =	vld.idx.msk [tilespmem:v26+s3+$0x0], $0xffff  }
0x36: {  	v33 =	vperm.xlane v20, v10;
	v29 =	vadd.s32 v19, v29;
	v32 =	vor.u32 v3, v27;
	v22 =	vld.idx.msk [tilespmem:v22+s3+$0x0], $0xffff  }
0x37: {  	v31 =	vshll.u32 v31, $0x5;
	v29 =	vand.u32 $0xFFFFFFE8, v29;
	v27 =	vor.u32 v4, v27;
	v28 =	vld.idx.msk [tilespmem:v28+s3+$0x0], $0xffff  }
0x38: {  	v35 =	vperm.xlane v20, v11;
	v31 =	vadd.s32 v19, v31;
	v34 =	vor.u32 v3, v29;
	v23 =	vld.idx.msk [tilespmem:v23+s3+$0x0], $0xffff  }
0x39: {  	v33 =	vshll.u32 v33, $0x5;
	v31 =	vand.u32 $0xFFFFFFE8, v31;
	v29 =	vor.u32 v4, v29;
	v30 =	vld.idx.msk [tilespmem:v30+s3+$0x0], $0xffff  }
0x3a: {  	v37 =	vperm.xlane v20, v12;
	v33 =	vadd.s32 v19, v33;
	v36 =	vor.u32 v3, v31;
	v25 =	vld.idx.msk [tilespmem:v25+s3+$0x0], $0xffff  }
0x3b: {  	v35 =	vshll.u32 v35, $0x5;
	v33 =	vand.u32 $0xFFFFFFE8, v33;
	v31 =	vor.u32 v4, v31;
	v32 =	vld.idx.msk [tilespmem:v32+s3+$0x0], $0xffff  }
0x3c: {  	v39 =	vperm.xlane v20, v13;
	v35 =	vadd.s32 v19, v35;
	v38 =	vor.u32 v3, v33;
	v27 =	vld.idx.msk [tilespmem:v27+s3+$0x0], $0xffff  }
0x3d: {  	v37 =	vshll.u32 v37, $0x5;
	v35 =	vand.u32 $0xFFFFFFE8, v35;
	v33 =	vor.u32 v4, v33;
	v34 =	vld.idx.msk [tilespmem:v34+s3+$0x0], $0xffff  }
0x3e: {  	v41 =	vperm.xlane v20, v14;
	v37 =	vadd.s32 v19, v37;
	v40 =	vor.u32 v3, v35;
	v29 =	vld.idx.msk [tilespmem:v29+s3+$0x0], $0xffff  }
0x3f: {  	v39 =	vshll.u32 v39, $0x5;
	v37 =	vand.u32 $0xFFFFFFE8, v37;
	v35 =	vor.u32 v4, v35;
	v36 =	vld.idx.msk [tilespmem:v36+s3+$0x0], $0xffff  }
0x40: {  	v43 =	vperm.xlane v20, v15;
	v39 =	vadd.s32 v19, v39;
	v42 =	vor.u32 v3, v37;
	v31 =	vld.idx.msk [tilespmem:v31+s3+$0x0], $0xffff  }
0x41: {  	v41 =	vshll.u32 v41, $0x5;
	v39 =	vand.u32 $0xFFFFFFE8, v39;
	v37 =	vor.u32 v4, v37;
	v38 =	vld.idx.msk [tilespmem:v38+s3+$0x0], $0xffff  }
0x42: {  	v45 =	vperm.xlane v20, v16;
	v41 =	vadd.s32 v19, v41;
	v44 =	vor.u32 v3, v39;
	v33 =	vld.idx.msk [tilespmem:v33+s3+$0x0], $0xffff  }
0x43: {  	v43 =	vshll.u32 v43, $0x5;
	v41 =	vand.u32 $0xFFFFFFE8, v41;
	v39 =	vor.u32 v4, v39;
	v40 =	vld.idx.msk [tilespmem:v40+s3+$0x0], $0xffff  }
0x44: {  	v47 =	vperm.xlane v20, v17;
	v43 =	vadd.s32 v19, v43;
	v46 =	vor.u32 v3, v41;
	v35 =	vld.idx.msk [tilespmem:v35+s3+$0x0], $0xffff  }
0x45: {  	v45 =	vshll.u32 v45, $0x5;
	v43 =	vand.u32 $0xFFFFFFE8, v43;
	v41 =	vor.u32 v4, v41;
	v42 =	vld.idx.msk [tilespmem:v42+s3+$0x0], $0xffff  }
0x46: {  	v20 =	vperm.xlane v20, v18;
	v45 =	vadd.s32 v19, v45;
	v48 =	vor.u32 v3, v43;
	v37 =	vld.idx.msk [tilespmem:v37+s3+$0x0], $0xffff  }
0x47: {  	v47 =	vshll.u32 v47, $0x5;
	v45 =	vand.u32 $0xFFFFFFE8, v45;
	v43 =	vor.u32 v4, v43;
	v44 =	vld.idx.msk [tilespmem:v44+s3+$0x0], $0xffff  }
0x48: {  	v47 =	vadd.s32 v19, v47;
	v49 =	vor.u32 v3, v45;
	v39 =	vld.idx.msk [tilespmem:v39+s3+$0x0], $0xffff  }
0x49: {  	v20 =	vshll.u32 v20, $0x5;
	v47 =	vand.u32 $0xFFFFFFE8, v47;
	v45 =	vor.u32 v4, v45;
	v46 =	vld.idx.msk [tilespmem:v46+s3+$0x0], $0xffff  }
0x4a: {  	v20 =	vadd.s32 v19, v20;
	v50 =	vor.u32 v3, v47;
	v41 =	vld.idx.msk [tilespmem:v41+s3+$0x0], $0xffff  }
0x4b: {  	v20 =	vand.u32 $0xFFFFFFE8, v20;
	v47 =	vor.u32 v4, v47;
	v48 =	vld.idx.msk [tilespmem:v48+s3+$0x0], $0xffff  }
0x4c: {  	v51 =	vor.u32 v3, v20;
	v43 =	vld.idx.msk [tilespmem:v43+s3+$0x0], $0xffff  }
0x4d: {  	v20 =	vor.u32 v4, v20;
	v49 =	vld.idx.msk [tilespmem:v49+s3+$0x0], $0xffff  }
0x4e: {  	v45 =	vld.idx.msk [tilespmem:v45+s3+$0x0], $0xffff  }
0x4f: {  	v50 =	vld.idx.msk [tilespmem:v50+s3+$0x0], $0xffff  }
0x50: {  	v47 =	vld.idx.msk [tilespmem:v47+s3+$0x0], $0xffff  }
0x51: {  	s24 =	simm.s32 $0x4900;
	v51 =	vld.idx.msk [tilespmem:v51+s3+$0x0], $0xffff  }
0x52: {  	v20 =	vld.idx.msk [tilespmem:v20+s3+$0x0], $0xffff;
	[tilespmem:s24+$0x0] =	vst v40  }
0x53: {  	[tilespmem:s24+$0x10] =	vst v35  }
0x54: {  	[tilespmem:s24+$0x20] =	vst v42  }
0x55: {  	[tilespmem:s24+$0x30] =	vst v37  }
0x56: {  	[tilespmem:s24+$0x40] =	vst v44  }
0x57: {  	[tilespmem:s24+$0x50] =	vst v39  }
0x58: {  	[tilespmem:s24+$0x60] =	vst v46  }
0x59: {  	[tilespmem:s24+$0x70] =	vst v41  }
0x5a: {  	[tilespmem:s24+$0x80] =	vst v48  }
0x5b: {  	[tilespmem:s24+$0x90] =	vst v43  }
0x5c: {  	[tilespmem:s24+$0xA0] =	vst v49  }
0x5d: {  	[tilespmem:s24+$0xB0] =	vst v45  }
0x5e: {  	[tilespmem:s24+$0xC0] =	vst v50  }
0x5f: {  	[tilespmem:s24+$0xD0] =	vst v47  }
0x60: {  	[tilespmem:s24+$0xE0] =	vst v51  }
0x61: {  	[tilespmem:s24+$0xF0] =	vst v20  }
0x62: {  	[tilespmem:s24+$0xFFFFFFF0] =	vst v33  }
0x63: {  	[tilespmem:s24+$0xFFFFFF00] =	vst v24  }
0x64: {  	[tilespmem:s24+$0xFFFFFF10] =	vst v21  }
0x65: {  	[tilespmem:s24+$0xFFFFFF20] =	vst v26  }
0x66: {  	[tilespmem:s24+$0xFFFFFF30] =	vst v22  }
0x67: {  	[tilespmem:s24+$0xFFFFFF40] =	vst v28  }
0x68: {  	[tilespmem:s24+$0xFFFFFF50] =	vst v23  }
0x69: {  	[tilespmem:s24+$0xFFFFFF60] =	vst v30  }
0x6a: {  	[tilespmem:s24+$0xFFFFFF70] =	vst v25  }
0x6b: {  	[tilespmem:s24+$0xFFFFFF80] =	vst v32  }
0x6c: {  	s30 =	simm.s32 $0x10;
	[tilespmem:s24+$0xFFFFFF90] =	vst v27  }
0x6d: {  	v20 =	vor.u32 s30, v0;
	[tilespmem:s24+$0xFFFFFFA0] =	vst v34  }
0x6e: {  	[tilespmem:s24+$0xFFFFFFB0] =	vst v29  }
0x6f: {  	[tilespmem:s24+$0xFFFFFFC0] =	vst v36  }
0x70: {  	[tilespmem:s24+$0xFFFFFFD0] =	vst v31  }
0x71: {  	[tilespmem:s24+$0xFFFFFFE0] =	vst v38  }
0x72: {  	v25 =	vld.idx.msk [tilespmem:v20+s14+$0x0], $0xffff;
	_ =	sdelay $0x4  }
0x73: {  	v20 =	vperm.xlane v25, v1;
	_ =	sdelay $0x1  }
0x74: {  	v21 =	vperm.xlane v25, v5;
	v20 =	vshll.u32 v20, $0x5  }
0x75: {  	v20 =	vadd.s32 v19, v20  }
0x76: {  	v22 =	vperm.xlane v25, v6;
	v21 =	vshll.u32 v21, $0x5;
	v20 =	vand.u32 $0xFFFFFFE8, v20  }
0x77: {  	v24 =	vperm.xlane v25, v7;
	v21 =	vadd.s32 v19, v21;
	v23 =	vor.u32 v3, v20  }
0x78: {  	v27 =	vor.u32 v4, v20;
	v20 =	vand.u32 $0xFFFFFFE8, v21;
	v21 =	vshll.u32 v22, $0x5  }
0x79: {  	v28 =	vperm.xlane v25, v8;
	v22 =	vor.u32 v3, v20;
	v21 =	vadd.s32 v19, v21  }
0x7a: {  	v29 =	vor.u32 v4, v20;
	v20 =	vshll.u32 v24, $0x5;
	v21 =	vand.u32 $0xFFFFFFE8, v21  }
0x7b: {  	v31 =	vperm.xlane v25, v2;
	v30 =	vadd.s32 v19, v20;
	v24 =	vor.u32 v3, v21  }
0x7c: {  	v28 =	vshll.u32 v28, $0x5;
	v26 =	vor.u32 v4, v21;
	v20 =	vld.idx.msk [tilespmem:v23+s3+$0x0], $0xffff;
	v23 =	vand.u32 $0xFFFFFFE8, v30  }
0x7d: {  	v62 =	vperm.xlane v25, v9;
	v21 =	vld.idx.msk [tilespmem:v27+s3+$0x0], $0xffff;
	v30 =	vadd.s32 v19, v28;
	v27 =	vor.u32 v3, v23  }
0x7e: {  	v31 =	vshll.u32 v31, $0x5;
	v22 =	vld.idx.msk [tilespmem:v22+s3+$0x0], $0xffff;
	v28 =	vor.u32 v4, v23;
	v30 =	vand.u32 $0xFFFFFFE8, v30  }
0x7f: {  	s31 =	sshll.u32 s23, $0xB;
	v33 =	vshll.u32 v62, $0x5;
	v63 =	vadd.s32 v19, v31;
	v23 =	vld.idx.msk [tilespmem:v29+s3+$0x0], $0xffff;
	v29 =	vor.u32 v3, v30  }
0x80: {  	s26 =	simm.s32 $0x20;
	s25 =	sor.u32 s5, s31;
	v31 =	vperm.xlane v25, v10;
	v32 =	vand.u32 $0xFFFFFFE8, v63;
	v30 =	vor.u32 v4, v30;
	v24 =	vld.idx.msk [tilespmem:v24+s3+$0x0], $0xffff  }
.LBB2_3:
0x81: {  	p0 =	sne.s32 s26, $0x3F0;
	v26 =	vld.idx.msk [tilespmem:v26+s3+$0x0], $0xffff;
	v34 =	vor.u32 v3, v32;
	v33 =	vadd.s32 v19, v33;
	v35 =	vperm.xlane v25, v11  }
0x82: {  	v32 =	vor.u32 v4, v32;
	v31 =	vshll.u32 v31, $0x5;
	v27 =	vld.idx.msk [tilespmem:v27+s3+$0x0], $0xffff;
	v33 =	vand.u32 $0xFFFFFFE8, v33  }
0x83: {  	v37 =	vperm.xlane v25, v12;
	v31 =	vadd.s32 v19, v31;
	v28 =	vld.idx.msk [tilespmem:v28+s3+$0x0], $0xffff;
	v36 =	vor.u32 v3, v33  }
0x84: {  	v38 =	vor.u32 v4, v33;
	v33 =	vand.u32 $0xFFFFFFE8, v31;
	v31 =	vshll.u32 v35, $0x5;
	v29 =	vld.idx.msk [tilespmem:v29+s3+$0x0], $0xffff  }
0x85: {  	v40 =	vperm.xlane v25, v13;
	v35 =	vor.u32 v3, v33;
	v39 =	vadd.s32 v19, v31;
	v30 =	vld.idx.msk [tilespmem:v30+s3+$0x0], $0xffff  }
0x86: {  	v41 =	vor.u32 v4, v33;
	v33 =	vshll.u32 v37, $0x5;
	v31 =	vld.idx.msk [tilespmem:v34+s3+$0x0], $0xffff;
	v34 =	vand.u32 $0xFFFFFFE8, v39  }
0x87: {  	v42 =	vperm.xlane v25, v14;
	v39 =	vadd.s32 v19, v33;
	v32 =	vld.idx.msk [tilespmem:v32+s3+$0x0], $0xffff;
	v37 =	vor.u32 v3, v34  }
0x88: {  	v40 =	vshll.u32 v40, $0x5;
	v39 =	vand.u32 $0xFFFFFFE8, v39;
	v33 =	vld.idx.msk [tilespmem:v36+s3+$0x0], $0xffff;
	v36 =	vor.u32 v4, v34  }
0x89: {  	v43 =	vperm.xlane v25, v15;
	v40 =	vadd.s32 v19, v40;
	v34 =	vld.idx.msk [tilespmem:v38+s3+$0x0], $0xffff;
	v38 =	vor.u32 v3, v39  }
0x8a: {  	v42 =	vshll.u32 v42, $0x5;
	v40 =	vand.u32 $0xFFFFFFE8, v40;
	v39 =	vor.u32 v4, v39;
	v35 =	vld.idx.msk [tilespmem:v35+s3+$0x0], $0xffff  }
0x8b: {  	v45 =	vperm.xlane v25, v16;
	v42 =	vadd.s32 v19, v42;
	v44 =	vor.u32 v3, v40;
	v41 =	vld.idx.msk [tilespmem:v41+s3+$0x0], $0xffff  }
0x8c: {  	v43 =	vshll.u32 v43, $0x5;
	v42 =	vand.u32 $0xFFFFFFE8, v42;
	v40 =	vor.u32 v4, v40;
	v37 =	vld.idx.msk [tilespmem:v37+s3+$0x0], $0xffff  }
0x8d: {  	v47 =	vperm.xlane v25, v17;
	v43 =	vadd.s32 v19, v43;
	v46 =	vor.u32 v3, v42;
	v36 =	vld.idx.msk [tilespmem:v36+s3+$0x0], $0xffff  }
0x8e: {  	v45 =	vshll.u32 v45, $0x5;
	v43 =	vand.u32 $0xFFFFFFE8, v43;
	v42 =	vor.u32 v4, v42;
	v38 =	vld.idx.msk [tilespmem:v38+s3+$0x0], $0xffff  }
0x8f: {  	v25 =	vperm.xlane v25, v18;
	v45 =	vadd.s32 v19, v45;
	v48 =	vor.u32 v3, v43;
	v39 =	vld.idx.msk [tilespmem:v39+s3+$0x0], $0xffff  }
0x90: {  	v47 =	vshll.u32 v47, $0x5;
	v45 =	vand.u32 $0xFFFFFFE8, v45;
	v43 =	vor.u32 v4, v43;
	v44 =	vld.idx.msk [tilespmem:v44+s3+$0x0], $0xffff  }
0x91: {  	v47 =	vadd.s32 v19, v47;
	v49 =	vor.u32 v3, v45;
	v40 =	vld.idx.msk [tilespmem:v40+s3+$0x0], $0xffff  }
0x92: {  	v25 =	vshll.u32 v25, $0x5;
	v47 =	vand.u32 $0xFFFFFFE8, v47;
	v45 =	vor.u32 v4, v45;
	v46 =	vld.idx.msk [tilespmem:v46+s3+$0x0], $0xffff  }
0x93: {  	v25 =	vadd.s32 v19, v25;
	v50 =	vor.u32 v3, v47;
	v42 =	vld.idx.msk [tilespmem:v42+s3+$0x0], $0xffff  }
0x94: {  	v25 =	vand.u32 $0xFFFFFFE8, v25;
	v47 =	vor.u32 v4, v47;
	v48 =	vld.idx.msk [tilespmem:v48+s3+$0x0], $0xffff  }
0x95: {  	v51 =	vor.u32 v3, v25;
	v43 =	vld.idx.msk [tilespmem:v43+s3+$0x0], $0xffff  }
0x96: {  	v25 =	vor.u32 v4, v25;
	v49 =	vld.idx.msk [tilespmem:v49+s3+$0x0], $0xffff  }
0x97: {  	v45 =	vld.idx.msk [tilespmem:v45+s3+$0x0], $0xffff  }
0x98: {  	v50 =	vld.idx.msk [tilespmem:v50+s3+$0x0], $0xffff  }
0x99: {  	v47 =	vld.idx.msk [tilespmem:v47+s3+$0x0], $0xffff  }
0x9a: {  	s24 =	sadd.s32 $0x200, s24;
	v51 =	vld.idx.msk [tilespmem:v51+s3+$0x0], $0xffff  }
0x9b: {  	v25 =	vld.idx.msk [tilespmem:v25+s3+$0x0], $0xffff;
	[tilespmem:s24+$0x0] =	vst v37  }
0x9c: {  	[tilespmem:s24+$0x10] =	vst v36  }
0x9d: {  	[tilespmem:s24+$0x20] =	vst v38  }
0x9e: {  	[tilespmem:s24+$0x30] =	vst v39  }
0x9f: {  	[tilespmem:s24+$0x40] =	vst v44  }
0xa0: {  	[tilespmem:s24+$0x50] =	vst v40  }
0xa1: {  	[tilespmem:s24+$0x60] =	vst v46  }
0xa2: {  	[tilespmem:s24+$0x70] =	vst v42  }
0xa3: {  	[tilespmem:s24+$0x80] =	vst v48  }
0xa4: {  	[tilespmem:s24+$0x90] =	vst v43  }
0xa5: {  	[tilespmem:s24+$0xA0] =	vst v49  }
0xa6: {  	[tilespmem:s24+$0xB0] =	vst v45  }
0xa7: {  	[tilespmem:s24+$0xC0] =	vst v50  }
0xa8: {  	[tilespmem:s24+$0xD0] =	vst v47  }
0xa9: {  	[tilespmem:s24+$0xE0] =	vst v51  }
0xaa: {  	[tilespmem:s24+$0xF0] =	vst v25  }
0xab: {  	[tilespmem:s24+$0xFFFFFFF0] =	vst v41  }
0xac: {  	[tilespmem:s24+$0xFFFFFF00] =	vst v20  }
0xad: {  	[tilespmem:s24+$0xFFFFFF10] =	vst v21  }
0xae: {  	[tilespmem:s24+$0xFFFFFF20] =	vst v22  }
0xaf: {  	[tilespmem:s24+$0xFFFFFF30] =	vst v23  }
0xb0: {  	[tilespmem:s24+$0xFFFFFF40] =	vst v24  }
0xb1: {  	[tilespmem:s24+$0xFFFFFF50] =	vst v26  }
0xb2: {  	[tilespmem:s24+$0xFFFFFF60] =	vst v27  }
0xb3: {  	[tilespmem:s24+$0xFFFFFF70] =	vst v28  }
0xb4: {  	[tilespmem:s24+$0xFFFFFF80] =	vst v29  }
0xb5: {  	[tilespmem:s24+$0xFFFFFF90] =	vst v30  }
0xb6: {  	v20 =	vor.u32 s26, v0;
	[tilespmem:s24+$0xFFFFFFA0] =	vst v31  }
0xb7: {  	[tilespmem:s24+$0xFFFFFFB0] =	vst v32  }
0xb8: {  	[tilespmem:s24+$0xFFFFFFC0] =	vst v33  }
0xb9: {  	[tilespmem:s24+$0xFFFFFFD0] =	vst v34  }
0xba: {  	[tilespmem:s24+$0xFFFFFFE0] =	vst v35  }
0xbb: {  	v25 =	vld.idx.msk [tilespmem:v20+s14+$0x0], $0xffff;
	_ =	sdelay $0x5  }
0xbc: {  	v20 =	vperm.xlane v25, v1;
	_ =	sdelay $0x1  }
0xbd: {  	v21 =	vperm.xlane v25, v5;
	v20 =	vshll.u32 v20, $0x5  }
0xbe: {  	v20 =	vadd.s32 v19, v20  }
0xbf: {  	v22 =	vperm.xlane v25, v6;
	v21 =	vshll.u32 v21, $0x5;
	v20 =	vand.u32 $0xFFFFFFE8, v20  }
0xc0: {  	v24 =	vperm.xlane v25, v7;
	v21 =	vadd.s32 v19, v21;
	v23 =	vor.u32 v3, v20  }
0xc1: {  	v27 =	vor.u32 v4, v20;
	v20 =	vand.u32 $0xFFFFFFE8, v21;
	v21 =	vshll.u32 v22, $0x5  }
0xc2: {  	v28 =	vperm.xlane v25, v8;
	v22 =	vor.u32 v3, v20;
	v21 =	vadd.s32 v19, v21  }
0xc3: {  	v29 =	vor.u32 v4, v20;
	v20 =	vshll.u32 v24, $0x5;
	v21 =	vand.u32 $0xFFFFFFE8, v21  }
0xc4: {  	v31 =	vperm.xlane v25, v2;
	v30 =	vadd.s32 v19, v20;
	v24 =	vor.u32 v3, v21  }
.Ltmp2:
0xc5: {  	v28 =	vshll.u32 v28, $0x5;
	v26 =	vor.u32 v4, v21;
	v20 =	vld.idx.msk [tilespmem:v23+s3+$0x0], $0xffff;
	v23 =	vand.u32 $0xFFFFFFE8, v30;
	(pc) =	sbr.rel @p0 .LBB2_3-.Ltmp2, $4  }
0xc6: {  	v33 =	vperm.xlane v25, v9;
	v30 =	vadd.s32 v19, v28;
	v21 =	vld.idx.msk [tilespmem:v27+s3+$0x0], $0xffff;
	v27 =	vor.u32 v3, v23  }
0xc7: {  	v31 =	vshll.u32 v31, $0x5;
	v28 =	vor.u32 v4, v23;
	v30 =	vand.u32 $0xFFFFFFE8, v30;
	v22 =	vld.idx.msk [tilespmem:v22+s3+$0x0], $0xffff  }
0xc8: {  	v32 =	vadd.s32 v19, v31;
	v31 =	vperm.xlane v25, v10;
	v23 =	vld.idx.msk [tilespmem:v29+s3+$0x0], $0xffff;
	v29 =	vor.u32 v3, v30  }
0xc9: {  	s26 =	sadd.s32 $0x10, s26;
	v33 =	vshll.u32 v33, $0x5;
	v32 =	vand.u32 $0xFFFFFFE8, v32;
	v30 =	vor.u32 v4, v30;
	v24 =	vld.idx.msk [tilespmem:v24+s3+$0x0], $0xffff  }
0xca: {  	_ =	sdelay $0x3  }
0xcb: {  	v26 =	vld.idx.msk [tilespmem:v26+s3+$0x0], $0xffff;
	v34 =	vor.u32 v3, v32;
	v33 =	vadd.s32 v19, v33;
	v35 =	vperm.xlane v25, v11  }
0xcc: {  	v27 =	vld.idx.msk [tilespmem:v27+s3+$0x0], $0xffff;
	v62 =	vor.u32 v4, v32;
	v31 =	vshll.u32 v31, $0x5;
	v33 =	vand.u32 $0xFFFFFFE8, v33  }
0xcd: {  	v28 =	vld.idx.msk [tilespmem:v28+s3+$0x0], $0xffff;
	v37 =	vperm.xlane v25, v12;
	v31 =	vadd.s32 v19, v31;
	v36 =	vor.u32 v3, v33  }
0xce: {  	v29 =	vld.idx.msk [tilespmem:v29+s3+$0x0], $0xffff;
	v33 =	vor.u32 v4, v33;
	v31 =	vand.u32 $0xFFFFFFE8, v31;
	v35 =	vshll.u32 v35, $0x5  }
0xcf: {  	v30 =	vld.idx.msk [tilespmem:v30+s3+$0x0], $0xffff;
	v39 =	vperm.xlane v25, v13;
	v38 =	vor.u32 v3, v31;
	v35 =	vadd.s32 v19, v35  }
0xd0: {  	v37 =	vshll.u32 v37, $0x5;
	v31 =	vor.u32 v4, v31;
	v35 =	vand.u32 $0xFFFFFFE8, v35;
	v34 =	vld.idx.msk [tilespmem:v34+s3+$0x0], $0xffff  }
0xd1: {  	v41 =	vperm.xlane v25, v14;
	v37 =	vadd.s32 v19, v37;
	v32 =	vld.idx.msk [tilespmem:v62+s3+$0x0], $0xffff;
	v40 =	vor.u32 v3, v35  }
0xd2: {  	v39 =	vshll.u32 v39, $0x5;
	v37 =	vand.u32 $0xFFFFFFE8, v37;
	v35 =	vor.u32 v4, v35;
	v36 =	vld.idx.msk [tilespmem:v36+s3+$0x0], $0xffff  }
0xd3: {  	v43 =	vperm.xlane v25, v15;
	v39 =	vadd.s32 v19, v39;
	v42 =	vor.u32 v3, v37;
	v33 =	vld.idx.msk [tilespmem:v33+s3+$0x0], $0xffff  }
0xd4: {  	v41 =	vshll.u32 v41, $0x5;
	v39 =	vand.u32 $0xFFFFFFE8, v39;
	v37 =	vor.u32 v4, v37;
	v38 =	vld.idx.msk [tilespmem:v38+s3+$0x0], $0xffff  }
0xd5: {  	v45 =	vperm.xlane v25, v16;
	v41 =	vadd.s32 v19, v41;
	v44 =	vor.u32 v3, v39;
	v31 =	vld.idx.msk [tilespmem:v31+s3+$0x0], $0xffff  }
0xd6: {  	v43 =	vshll.u32 v43, $0x5;
	v41 =	vand.u32 $0xFFFFFFE8, v41;
	v39 =	vor.u32 v4, v39;
	v40 =	vld.idx.msk [tilespmem:v40+s3+$0x0], $0xffff  }
0xd7: {  	v47 =	vperm.xlane v25, v17;
	v43 =	vadd.s32 v19, v43;
	v46 =	vor.u32 v3, v41;
	v35 =	vld.idx.msk [tilespmem:v35+s3+$0x0], $0xffff  }
0xd8: {  	v45 =	vshll.u32 v45, $0x5;
	v43 =	vand.u32 $0xFFFFFFE8, v43;
	v41 =	vor.u32 v4, v41;
	v42 =	vld.idx.msk [tilespmem:v42+s3+$0x0], $0xffff  }
0xd9: {  	v63 =	vperm.xlane v25, v18;
	v45 =	vadd.s32 v19, v45;
	v48 =	vor.u32 v3, v43;
	v37 =	vld.idx.msk [tilespmem:v37+s3+$0x0], $0xffff  }
0xda: {  	v47 =	vshll.u32 v47, $0x5;
	v45 =	vand.u32 $0xFFFFFFE8, v45;
	v43 =	vor.u32 v4, v43;
	v44 =	vld.idx.msk [tilespmem:v44+s3+$0x0], $0xffff  }
0xdb: {  	v47 =	vadd.s32 v19, v47;
	v49 =	vor.u32 v3, v45;
	v39 =	vld.idx.msk [tilespmem:v39+s3+$0x0], $0xffff  }
0xdc: {  	v25 =	vshll.u32 v63, $0x5;
	v47 =	vand.u32 $0xFFFFFFE8, v47;
	v45 =	vor.u32 v4, v45;
	v46 =	vld.idx.msk [tilespmem:v46+s3+$0x0], $0xffff  }
0xdd: {  	v25 =	vadd.s32 v19, v25;
	v50 =	vor.u32 v3, v47;
	v41 =	vld.idx.msk [tilespmem:v41+s3+$0x0], $0xffff  }
0xde: {  	v25 =	vand.u32 $0xFFFFFFE8, v25;
	v47 =	vor.u32 v4, v47;
	v48 =	vld.idx.msk [tilespmem:v48+s3+$0x0], $0xffff  }
0xdf: {  	v51 =	vor.u32 v3, v25;
	v43 =	vld.idx.msk [tilespmem:v43+s3+$0x0], $0xffff  }
0xe0: {  	v25 =	vor.u32 v4, v25;
	v49 =	vld.idx.msk [tilespmem:v49+s3+$0x0], $0xffff  }
0xe1: {  	v45 =	vld.idx.msk [tilespmem:v45+s3+$0x0], $0xffff  }
0xe2: {  	v50 =	vld.idx.msk [tilespmem:v50+s3+$0x0], $0xffff  }
0xe3: {  	v47 =	vld.idx.msk [tilespmem:v47+s3+$0x0], $0xffff  }
0xe4: {  	s24 =	sadd.s32 $0x200, s24;
	v51 =	vld.idx.msk [tilespmem:v51+s3+$0x0], $0xffff  }
0xe5: {  	v25 =	vld.idx.msk [tilespmem:v25+s3+$0x0], $0xffff;
	[tilespmem:s24+$0xFFFFFF00] =	vst v20  }
0xe6: {  	[tilespmem:s24+$0xFFFFFF10] =	vst v21  }
0xe7: {  	[tilespmem:s24+$0xFFFFFF20] =	vst v22  }
0xe8: {  	[tilespmem:s24+$0xFFFFFF30] =	vst v23  }
0xe9: {  	[tilespmem:s24+$0xFFFFFF40] =	vst v24  }
0xea: {  	[tilespmem:s24+$0xFFFFFF50] =	vst v26  }
0xeb: {  	[tilespmem:s24+$0xFFFFFF60] =	vst v27  }
0xec: {  	[tilespmem:s24+$0xFFFFFF70] =	vst v28  }
0xed: {  	[tilespmem:s24+$0xFFFFFF80] =	vst v29  }
0xee: {  	[tilespmem:s24+$0xFFFFFF90] =	vst v30  }
0xef: {  	[tilespmem:s24+$0xFFFFFFA0] =	vst v34  }
0xf0: {  	[tilespmem:s24+$0xFFFFFFB0] =	vst v32  }
0xf1: {  	[tilespmem:s24+$0xFFFFFFC0] =	vst v36  }
0xf2: {  	[tilespmem:s24+$0xFFFFFFD0] =	vst v33  }
0xf3: {  	[tilespmem:s24+$0xFFFFFFF0] =	vst v31  }
0xf4: {  	[tilespmem:s24+$0xFFFFFFE0] =	vst v38  }
0xf5: {  	[tilespmem:s24+$0x0] =	vst v40  }
0xf6: {  	[tilespmem:s24+$0x10] =	vst v35  }
0xf7: {  	[tilespmem:s24+$0x20] =	vst v42  }
0xf8: {  	[tilespmem:s24+$0x30] =	vst v37  }
0xf9: {  	[tilespmem:s24+$0x40] =	vst v44  }
0xfa: {  	[tilespmem:s24+$0x50] =	vst v39  }
0xfb: {  	[tilespmem:s24+$0x60] =	vst v46  }
0xfc: {  	[tilespmem:s24+$0x70] =	vst v41  }
0xfd: {  	[tilespmem:s24+$0x80] =	vst v48  }
0xfe: {  	[tilespmem:s24+$0x90] =	vst v43  }
0xff: {  	[tilespmem:s24+$0xA0] =	vst v49  }
0x100: {  	[tilespmem:s24+$0xB0] =	vst v45  }
0x101: {  	[tilespmem:s24+$0xC0] =	vst v50  }
0x102: {  	p0 =	seq.s32 s23, $0x3F;
	[tilespmem:s24+$0xD0] =	vst v47  }
0x103: {  	s26 =	sshll.u32 s25, $0x2;
	p1 =	seq.s32 @!p0 s23, $0x0;
	[tilespmem:s24+$0xE0] =	vst v51  }
0x104: {  	s31 =	sadd.s32 s2, s26;
	p1 =	por p0, !p1;
	[tilespmem:s24+$0xF0] =	vst v25  }
0x105: {  	[hbm4b:s31+s3] =	stream.linear.scatter [tilespmem:s17], [sflag:$0x3], $0x8000, $0x38;
	[tilespmem:$0x14810] =	vst v63  }
.Ltmp3:
0x106: {  	s24 =	sshrl.u32 @!p0 s25, $0x3;
	(pc) =	sbr.rel @!p1 .LBB2_6-.Ltmp3, $4  }
0x107: {  	s24 =	sadd.s32 @!p0 s4, s24  }
0x108: {  	s26 =	simm.s32 @!p0 $0x0;
	s28 =	simm.s32 @!p0 $0x4000;
	s24 =	sadd.s32 @!p0 $0x100, s24  }
0x109: {  	[tilespmem:s28], [sflag:$0x1] =	stream.linear.gather @!p0 [hbm4b:s24+s26], $0x400, $0x38;
	[tilespmem:$0x14810] =	vst v63  }
0x10a: {  	s24 =	sor.u32 @!p0 $0x400, s25  }
0x10b: {  	_ =	swait.ge [sflag:s21], $0x8000  }
0x10c: {  	[sflag:s21] =	ssyncset.done $0x0  }
0x10d: {  	s24 =	smov.u32 @p0 s10;
	[sflag:s21] =	ssyncadd.s32 $0xFFFF8000  }
.LBB2_6:
0x10e: {  	s25 =	simm.s32 $0x0  }
0x10f: {  	v20 =	vor.u32 s25, v0;
	_ =	sdelay $0x1  }
0x110: {  	_ =	swait.ge [sflag:s18], $0x400  }
0x111: {  	[sflag:s18] =	ssyncset.done $0x0  }
0x112: {  	[sflag:s18] =	ssyncadd.s32 $0xFFFFFC00  }
0x113: {  	v25 =	vld.idx.msk [tilespmem:v20+s15+$0x0], $0xffff;
	_ =	sdelay $0x4  }
0x114: {  	v20 =	vperm.xlane v25, v1;
	_ =	sdelay $0x1  }
0x115: {  	v21 =	vperm.xlane v25, v5;
	v20 =	vshll.u32 v20, $0x5  }
0x116: {  	v20 =	vadd.s32 v19, v20  }
0x117: {  	v22 =	vperm.xlane v25, v6;
	v21 =	vshll.u32 v21, $0x5;
	v20 =	vand.u32 $0xFFFFFFE8, v20  }
0x118: {  	v24 =	vperm.xlane v25, v7;
	v21 =	vadd.s32 v19, v21;
	v23 =	vor.u32 v3, v20  }
0x119: {  	v27 =	vor.u32 v4, v20;
	v20 =	vand.u32 $0xFFFFFFE8, v21;
	v21 =	vshll.u32 v22, $0x5  }
0x11a: {  	v28 =	vperm.xlane v25, v8;
	v22 =	vor.u32 v3, v20;
	v21 =	vadd.s32 v19, v21  }
0x11b: {  	v29 =	vor.u32 v4, v20;
	v20 =	vshll.u32 v24, $0x5;
	v21 =	vand.u32 $0xFFFFFFE8, v21  }
0x11c: {  	v31 =	vperm.xlane v25, v2;
	v30 =	vadd.s32 v19, v20;
	v24 =	vor.u32 v3, v21  }
0x11d: {  	v28 =	vshll.u32 v28, $0x5;
	v26 =	vor.u32 v4, v21;
	v20 =	vld.idx.msk [tilespmem:v23+s3+$0x0], $0xffff;
	v23 =	vand.u32 $0xFFFFFFE8, v30  }
0x11e: {  	v33 =	vperm.xlane v25, v9;
	v21 =	vld.idx.msk [tilespmem:v27+s3+$0x0], $0xffff;
	v30 =	vadd.s32 v19, v28;
	v27 =	vor.u32 v3, v23  }
0x11f: {  	v31 =	vshll.u32 v31, $0x5;
	v22 =	vld.idx.msk [tilespmem:v22+s3+$0x0], $0xffff;
	v28 =	vor.u32 v4, v23;
	v30 =	vand.u32 $0xFFFFFFE8, v30  }
0x120: {  	v33 =	vshll.u32 v33, $0x5;
	v32 =	vadd.s32 v19, v31;
	v23 =	vld.idx.msk [tilespmem:v29+s3+$0x0], $0xffff;
	v29 =	vor.u32 v3, v30  }
0x121: {  	s26 =	simm.s32 $0x800;
	s28 =	simm.s32 $0x0;
	v31 =	vperm.xlane v25, v10;
	v32 =	vand.u32 $0xFFFFFFE8, v32;
	v30 =	vor.u32 v4, v30;
	v24 =	vld.idx.msk [tilespmem:v24+s3+$0x0], $0xffff  }
.LBB2_7:
0x122: {  	p1 =	sne.s32 s26, $0x1F800;
	v26 =	vld.idx.msk [tilespmem:v26+s3+$0x0], $0xffff;
	v34 =	vor.u32 v3, v32;
	v33 =	vadd.s32 v19, v33;
	v35 =	vperm.xlane v25, v11  }
0x123: {  	v32 =	vor.u32 v4, v32;
	v31 =	vshll.u32 v31, $0x5;
	v27 =	vld.idx.msk [tilespmem:v27+s3+$0x0], $0xffff;
	v33 =	vand.u32 $0xFFFFFFE8, v33  }
0x124: {  	v37 =	vperm.xlane v25, v12;
	v31 =	vadd.s32 v19, v31;
	v28 =	vld.idx.msk [tilespmem:v28+s3+$0x0], $0xffff;
	v36 =	vor.u32 v3, v33  }
0x125: {  	v38 =	vor.u32 v4, v33;
	v33 =	vand.u32 $0xFFFFFFE8, v31;
	v31 =	vshll.u32 v35, $0x5;
	v29 =	vld.idx.msk [tilespmem:v29+s3+$0x0], $0xffff  }
0x126: {  	v40 =	vperm.xlane v25, v13;
	v35 =	vor.u32 v3, v33;
	v39 =	vadd.s32 v19, v31;
	v30 =	vld.idx.msk [tilespmem:v30+s3+$0x0], $0xffff  }
0x127: {  	v41 =	vor.u32 v4, v33;
	v33 =	vshll.u32 v37, $0x5;
	v31 =	vld.idx.msk [tilespmem:v34+s3+$0x0], $0xffff;
	v34 =	vand.u32 $0xFFFFFFE8, v39  }
0x128: {  	v42 =	vperm.xlane v25, v14;
	v39 =	vadd.s32 v19, v33;
	v32 =	vld.idx.msk [tilespmem:v32+s3+$0x0], $0xffff;
	v37 =	vor.u32 v3, v34  }
0x129: {  	v40 =	vshll.u32 v40, $0x5;
	v39 =	vand.u32 $0xFFFFFFE8, v39;
	v33 =	vld.idx.msk [tilespmem:v36+s3+$0x0], $0xffff;
	v36 =	vor.u32 v4, v34  }
0x12a: {  	v43 =	vperm.xlane v25, v15;
	v40 =	vadd.s32 v19, v40;
	v34 =	vld.idx.msk [tilespmem:v38+s3+$0x0], $0xffff;
	v38 =	vor.u32 v3, v39  }
0x12b: {  	v42 =	vshll.u32 v42, $0x5;
	v40 =	vand.u32 $0xFFFFFFE8, v40;
	v39 =	vor.u32 v4, v39;
	v35 =	vld.idx.msk [tilespmem:v35+s3+$0x0], $0xffff  }
0x12c: {  	v45 =	vperm.xlane v25, v16;
	v42 =	vadd.s32 v19, v42;
	v44 =	vor.u32 v3, v40;
	v41 =	vld.idx.msk [tilespmem:v41+s3+$0x0], $0xffff  }
0x12d: {  	v43 =	vshll.u32 v43, $0x5;
	v42 =	vand.u32 $0xFFFFFFE8, v42;
	v40 =	vor.u32 v4, v40;
	v37 =	vld.idx.msk [tilespmem:v37+s3+$0x0], $0xffff  }
0x12e: {  	v47 =	vperm.xlane v25, v17;
	v43 =	vadd.s32 v19, v43;
	v46 =	vor.u32 v3, v42;
	v36 =	vld.idx.msk [tilespmem:v36+s3+$0x0], $0xffff  }
0x12f: {  	v45 =	vshll.u32 v45, $0x5;
	v43 =	vand.u32 $0xFFFFFFE8, v43;
	v42 =	vor.u32 v4, v42;
	v38 =	vld.idx.msk [tilespmem:v38+s3+$0x0], $0xffff  }
0x130: {  	v25 =	vperm.xlane v25, v18;
	v45 =	vadd.s32 v19, v45;
	v48 =	vor.u32 v3, v43;
	v39 =	vld.idx.msk [tilespmem:v39+s3+$0x0], $0xffff  }
0x131: {  	v47 =	vshll.u32 v47, $0x5;
	v45 =	vand.u32 $0xFFFFFFE8, v45;
	v43 =	vor.u32 v4, v43;
	v44 =	vld.idx.msk [tilespmem:v44+s3+$0x0], $0xffff  }
0x132: {  	v47 =	vadd.s32 v19, v47;
	v49 =	vor.u32 v3, v45;
	v40 =	vld.idx.msk [tilespmem:v40+s3+$0x0], $0xffff  }
0x133: {  	v25 =	vshll.u32 v25, $0x5;
	v47 =	vand.u32 $0xFFFFFFE8, v47;
	v45 =	vor.u32 v4, v45;
	v46 =	vld.idx.msk [tilespmem:v46+s3+$0x0], $0xffff  }
0x134: {  	v25 =	vadd.s32 v19, v25;
	v50 =	vor.u32 v3, v47;
	v42 =	vld.idx.msk [tilespmem:v42+s3+$0x0], $0xffff  }
0x135: {  	v25 =	vand.u32 $0xFFFFFFE8, v25;
	v47 =	vor.u32 v4, v47;
	v48 =	vld.idx.msk [tilespmem:v48+s3+$0x0], $0xffff  }
0x136: {  	v51 =	vor.u32 v3, v25;
	v43 =	vld.idx.msk [tilespmem:v43+s3+$0x0], $0xffff  }
0x137: {  	v25 =	vor.u32 v4, v25;
	v49 =	vld.idx.msk [tilespmem:v49+s3+$0x0], $0xffff  }
0x138: {  	v45 =	vld.idx.msk [tilespmem:v45+s3+$0x0], $0xffff  }
0x139: {  	v50 =	vld.idx.msk [tilespmem:v50+s3+$0x0], $0xffff  }
0x13a: {  	v47 =	vld.idx.msk [tilespmem:v47+s3+$0x0], $0xffff  }
0x13b: {  	s29 =	sshra.s32 s25, $0x2;
	s25 =	smov.u32 s26;
	v51 =	vld.idx.msk [tilespmem:v51+s3+$0x0], $0xffff  }
0x13c: {  	v25 =	vld.idx.msk [tilespmem:v25+s3+$0x0], $0xffff;
	[tilespmem:s29+$0xC900] =	vst v37  }
0x13d: {  	[tilespmem:s29+$0xC910] =	vst v36  }
0x13e: {  	[tilespmem:s29+$0xC920] =	vst v38  }
0x13f: {  	[tilespmem:s29+$0xC930] =	vst v39  }
0x140: {  	[tilespmem:s29+$0xC940] =	vst v44  }
0x141: {  	[tilespmem:s29+$0xC950] =	vst v40  }
0x142: {  	[tilespmem:s29+$0xC960] =	vst v46  }
0x143: {  	[tilespmem:s29+$0xC970] =	vst v42  }
0x144: {  	[tilespmem:s29+$0xC980] =	vst v48  }
0x145: {  	[tilespmem:s29+$0xC990] =	vst v43  }
0x146: {  	[tilespmem:s29+$0xC9A0] =	vst v49  }
0x147: {  	[tilespmem:s29+$0xC9B0] =	vst v45  }
0x148: {  	[tilespmem:s29+$0xC9C0] =	vst v50  }
0x149: {  	[tilespmem:s29+$0xC9D0] =	vst v47  }
0x14a: {  	[tilespmem:s29+$0xC9E0] =	vst v51  }
0x14b: {  	[tilespmem:s29+$0xC9F0] =	vst v25  }
0x14c: {  	[tilespmem:s29+$0xC8F0] =	vst v41  }
0x14d: {  	[tilespmem:s29+$0xC800] =	vst v20  }
0x14e: {  	[tilespmem:s29+$0xC810] =	vst v21  }
0x14f: {  	[tilespmem:s29+$0xC820] =	vst v22  }
0x150: {  	[tilespmem:s29+$0xC830] =	vst v23  }
0x151: {  	[tilespmem:s29+$0xC840] =	vst v24  }
0x152: {  	[tilespmem:s29+$0xC850] =	vst v26  }
0x153: {  	[tilespmem:s29+$0xC860] =	vst v27  }
0x154: {  	[tilespmem:s29+$0xC870] =	vst v28  }
0x155: {  	[tilespmem:s29+$0xC880] =	vst v29  }
0x156: {  	s28 =	sadd.s32 $0x10, s28;
	[tilespmem:s29+$0xC890] =	vst v30  }
0x157: {  	v20 =	vor.u32 s28, v0;
	[tilespmem:s29+$0xC8A0] =	vst v31  }
0x158: {  	[tilespmem:s29+$0xC8B0] =	vst v32  }
0x159: {  	[tilespmem:s29+$0xC8C0] =	vst v33  }
0x15a: {  	[tilespmem:s29+$0xC8D0] =	vst v34  }
0x15b: {  	[tilespmem:s29+$0xC8E0] =	vst v35  }
0x15c: {  	v25 =	vld.idx.msk [tilespmem:v20+s15+$0x0], $0xffff;
	_ =	sdelay $0x5  }
0x15d: {  	v20 =	vperm.xlane v25, v1;
	_ =	sdelay $0x1  }
0x15e: {  	v21 =	vperm.xlane v25, v5;
	v20 =	vshll.u32 v20, $0x5  }
0x15f: {  	v20 =	vadd.s32 v19, v20  }
0x160: {  	v22 =	vperm.xlane v25, v6;
	v21 =	vshll.u32 v21, $0x5;
	v20 =	vand.u32 $0xFFFFFFE8, v20  }
0x161: {  	v24 =	vperm.xlane v25, v7;
	v21 =	vadd.s32 v19, v21;
	v23 =	vor.u32 v3, v20  }
0x162: {  	v27 =	vor.u32 v4, v20;
	v20 =	vand.u32 $0xFFFFFFE8, v21;
	v21 =	vshll.u32 v22, $0x5  }
0x163: {  	v28 =	vperm.xlane v25, v8;
	v22 =	vor.u32 v3, v20;
	v21 =	vadd.s32 v19, v21  }
0x164: {  	v29 =	vor.u32 v4, v20;
	v20 =	vshll.u32 v24, $0x5;
	v21 =	vand.u32 $0xFFFFFFE8, v21  }
0x165: {  	v31 =	vperm.xlane v25, v2;
	v30 =	vadd.s32 v19, v20;
	v24 =	vor.u32 v3, v21  }
.Ltmp4:
0x166: {  	v28 =	vshll.u32 v28, $0x5;
	v26 =	vor.u32 v4, v21;
	v20 =	vld.idx.msk [tilespmem:v23+s3+$0x0], $0xffff;
	v23 =	vand.u32 $0xFFFFFFE8, v30;
	(pc) =	sbr.rel @p1 .LBB2_7-.Ltmp4, $4  }
0x167: {  	v33 =	vperm.xlane v25, v9;
	v30 =	vadd.s32 v19, v28;
	v21 =	vld.idx.msk [tilespmem:v27+s3+$0x0], $0xffff;
	v27 =	vor.u32 v3, v23  }
0x168: {  	v31 =	vshll.u32 v31, $0x5;
	v28 =	vor.u32 v4, v23;
	v30 =	vand.u32 $0xFFFFFFE8, v30;
	v22 =	vld.idx.msk [tilespmem:v22+s3+$0x0], $0xffff  }
0x169: {  	v32 =	vadd.s32 v19, v31;
	v31 =	vperm.xlane v25, v10;
	v23 =	vld.idx.msk [tilespmem:v29+s3+$0x0], $0xffff;
	v29 =	vor.u32 v3, v30  }
0x16a: {  	s26 =	sadd.s32 $0x800, s26;
	v33 =	vshll.u32 v33, $0x5;
	v32 =	vand.u32 $0xFFFFFFE8, v32;
	v30 =	vor.u32 v4, v30;
	v24 =	vld.idx.msk [tilespmem:v24+s3+$0x0], $0xffff  }
0x16b: {  	_ =	sdelay $0x3  }
0x16c: {  	v26 =	vld.idx.msk [tilespmem:v26+s3+$0x0], $0xffff;
	v34 =	vor.u32 v3, v32;
	v33 =	vadd.s32 v19, v33;
	v35 =	vperm.xlane v25, v11  }
0x16d: {  	v27 =	vld.idx.msk [tilespmem:v27+s3+$0x0], $0xffff;
	v62 =	vor.u32 v4, v32;
	v31 =	vshll.u32 v31, $0x5;
	v33 =	vand.u32 $0xFFFFFFE8, v33  }
0x16e: {  	v28 =	vld.idx.msk [tilespmem:v28+s3+$0x0], $0xffff;
	v37 =	vperm.xlane v25, v12;
	v31 =	vadd.s32 v19, v31;
	v36 =	vor.u32 v3, v33  }
0x16f: {  	v29 =	vld.idx.msk [tilespmem:v29+s3+$0x0], $0xffff;
	v33 =	vor.u32 v4, v33;
	v31 =	vand.u32 $0xFFFFFFE8, v31;
	v35 =	vshll.u32 v35, $0x5  }
0x170: {  	v30 =	vld.idx.msk [tilespmem:v30+s3+$0x0], $0xffff;
	v39 =	vperm.xlane v25, v13;
	v38 =	vor.u32 v3, v31;
	v35 =	vadd.s32 v19, v35  }
0x171: {  	v37 =	vshll.u32 v37, $0x5;
	v31 =	vor.u32 v4, v31;
	v35 =	vand.u32 $0xFFFFFFE8, v35;
	v34 =	vld.idx.msk [tilespmem:v34+s3+$0x0], $0xffff  }
0x172: {  	v41 =	vperm.xlane v25, v14;
	v37 =	vadd.s32 v19, v37;
	v32 =	vld.idx.msk [tilespmem:v62+s3+$0x0], $0xffff;
	v40 =	vor.u32 v3, v35  }
0x173: {  	v39 =	vshll.u32 v39, $0x5;
	v37 =	vand.u32 $0xFFFFFFE8, v37;
	v35 =	vor.u32 v4, v35;
	v36 =	vld.idx.msk [tilespmem:v36+s3+$0x0], $0xffff  }
0x174: {  	v43 =	vperm.xlane v25, v15;
	v39 =	vadd.s32 v19, v39;
	v42 =	vor.u32 v3, v37;
	v33 =	vld.idx.msk [tilespmem:v33+s3+$0x0], $0xffff  }
0x175: {  	v41 =	vshll.u32 v41, $0x5;
	v39 =	vand.u32 $0xFFFFFFE8, v39;
	v37 =	vor.u32 v4, v37;
	v38 =	vld.idx.msk [tilespmem:v38+s3+$0x0], $0xffff  }
0x176: {  	v45 =	vperm.xlane v25, v16;
	v41 =	vadd.s32 v19, v41;
	v44 =	vor.u32 v3, v39;
	v31 =	vld.idx.msk [tilespmem:v31+s3+$0x0], $0xffff  }
0x177: {  	v43 =	vshll.u32 v43, $0x5;
	v41 =	vand.u32 $0xFFFFFFE8, v41;
	v39 =	vor.u32 v4, v39;
	v40 =	vld.idx.msk [tilespmem:v40+s3+$0x0], $0xffff  }
0x178: {  	v47 =	vperm.xlane v25, v17;
	v43 =	vadd.s32 v19, v43;
	v46 =	vor.u32 v3, v41;
	v35 =	vld.idx.msk [tilespmem:v35+s3+$0x0], $0xffff  }
0x179: {  	v45 =	vshll.u32 v45, $0x5;
	v43 =	vand.u32 $0xFFFFFFE8, v43;
	v41 =	vor.u32 v4, v41;
	v42 =	vld.idx.msk [tilespmem:v42+s3+$0x0], $0xffff  }
0x17a: {  	v63 =	vperm.xlane v25, v18;
	v45 =	vadd.s32 v19, v45;
	v48 =	vor.u32 v3, v43;
	v37 =	vld.idx.msk [tilespmem:v37+s3+$0x0], $0xffff  }
0x17b: {  	v47 =	vshll.u32 v47, $0x5;
	v45 =	vand.u32 $0xFFFFFFE8, v45;
	v43 =	vor.u32 v4, v43;
	v44 =	vld.idx.msk [tilespmem:v44+s3+$0x0], $0xffff  }
0x17c: {  	v47 =	vadd.s32 v19, v47;
	v49 =	vor.u32 v3, v45;
	v39 =	vld.idx.msk [tilespmem:v39+s3+$0x0], $0xffff  }
0x17d: {  	v25 =	vshll.u32 v63, $0x5;
	v47 =	vand.u32 $0xFFFFFFE8, v47;
	v45 =	vor.u32 v4, v45;
	v46 =	vld.idx.msk [tilespmem:v46+s3+$0x0], $0xffff  }
0x17e: {  	v25 =	vadd.s32 v19, v25;
	v50 =	vor.u32 v3, v47;
	v41 =	vld.idx.msk [tilespmem:v41+s3+$0x0], $0xffff  }
0x17f: {  	v25 =	vand.u32 $0xFFFFFFE8, v25;
	v47 =	vor.u32 v4, v47;
	v48 =	vld.idx.msk [tilespmem:v48+s3+$0x0], $0xffff  }
0x180: {  	v51 =	vor.u32 v3, v25;
	v43 =	vld.idx.msk [tilespmem:v43+s3+$0x0], $0xffff  }
0x181: {  	v25 =	vor.u32 v4, v25;
	v49 =	vld.idx.msk [tilespmem:v49+s3+$0x0], $0xffff  }
0x182: {  	v45 =	vld.idx.msk [tilespmem:v45+s3+$0x0], $0xffff  }
0x183: {  	v50 =	vld.idx.msk [tilespmem:v50+s3+$0x0], $0xffff  }
0x184: {  	v47 =	vld.idx.msk [tilespmem:v47+s3+$0x0], $0xffff  }
0x185: {  	s25 =	sshra.s32 s25, $0x2;
	v51 =	vld.idx.msk [tilespmem:v51+s3+$0x0], $0xffff  }
0x186: {  	v25 =	vld.idx.msk [tilespmem:v25+s3+$0x0], $0xffff;
	[tilespmem:s25+$0xC800] =	vst v20  }
0x187: {  	[tilespmem:s25+$0xC810] =	vst v21  }
0x188: {  	[tilespmem:s25+$0xC820] =	vst v22  }
0x189: {  	[tilespmem:s25+$0xC830] =	vst v23  }
0x18a: {  	[tilespmem:s25+$0xC840] =	vst v24  }
0x18b: {  	[tilespmem:s25+$0xC850] =	vst v26  }
0x18c: {  	[tilespmem:s25+$0xC860] =	vst v27  }
0x18d: {  	[tilespmem:s25+$0xC870] =	vst v28  }
0x18e: {  	[tilespmem:s25+$0xC880] =	vst v29  }
0x18f: {  	[tilespmem:s25+$0xC890] =	vst v30  }
0x190: {  	[tilespmem:s25+$0xC8A0] =	vst v34  }
0x191: {  	[tilespmem:s25+$0xC8B0] =	vst v32  }
0x192: {  	[tilespmem:s25+$0xC8C0] =	vst v36  }
0x193: {  	[tilespmem:s25+$0xC8D0] =	vst v33  }
0x194: {  	[tilespmem:s25+$0xC8F0] =	vst v31  }
0x195: {  	[tilespmem:s25+$0xC8E0] =	vst v38  }
0x196: {  	[tilespmem:s25+$0xC900] =	vst v40  }
0x197: {  	[tilespmem:s25+$0xC910] =	vst v35  }
0x198: {  	[tilespmem:s25+$0xC920] =	vst v42  }
0x199: {  	[tilespmem:s25+$0xC930] =	vst v37  }
0x19a: {  	[tilespmem:s25+$0xC940] =	vst v44  }
0x19b: {  	[tilespmem:s25+$0xC950] =	vst v39  }
0x19c: {  	[tilespmem:s25+$0xC960] =	vst v46  }
0x19d: {  	[tilespmem:s25+$0xC970] =	vst v41  }
0x19e: {  	[tilespmem:s25+$0xC980] =	vst v48  }
0x19f: {  	[tilespmem:s25+$0xC990] =	vst v43  }
0x1a0: {  	[tilespmem:s25+$0xC9A0] =	vst v49  }
0x1a1: {  	[tilespmem:s25+$0xC9B0] =	vst v45  }
.Ltmp5:
0x1a2: {  	[tilespmem:s25+$0xC9C0] =	vst v50;
	(pc) =	sbr.rel @p0 .LBB2_10-.Ltmp5, $4  }
0x1a3: {  	[tilespmem:s25+$0xC9D0] =	vst v47  }
0x1a4: {  	s26 =	sshll.u32 s24, $0x2;
	[tilespmem:s25+$0xC9E0] =	vst v51  }
0x1a5: {  	s31 =	sadd.s32 s2, s26;
	[tilespmem:s25+$0xC9F0] =	vst v25  }
0x1a6: {  	[hbm4b:s31+s3] =	stream.linear.scatter [tilespmem:s19], [sflag:$0x4], $0x8000, $0x38;
	[tilespmem:$0x14810] =	vst v63  }
.Ltmp6:
0x1a7: {  	(pc) =	sbr.rel .LBB2_2-.Ltmp6, $4  }
0x1a8: {  	s24 =	sshrl.u32 s24, $0x3  }
0x1a9: {  	s24 =	sadd.s32 s4, s24  }
0x1aa: {  	s23 =	sadd.s32 $0x1, s23;
	s24 =	sadd.s32 $0x100, s24  }
0x1ab: {  	[tilespmem:s15], [sflag:$0x2] =	stream.linear.gather [hbm4b:s24+s3], $0x400, $0x38;
	[tilespmem:$0x14810] =	vst v63  }
.LBB2_11:
0x1ac: {  	_ =	sfence.sel $0x180000  }
0x1ad: {  	[bflag:$0x0] =	sbarrier.arrive $0xFFFF  }
0x1ae: {  	p0 =	sne.s32 s1, $0x0;
	_ =	strace $0x90000047  }
0x1af: {  	s0 =	sadd.s32 @!p0 $0x100000, s0;
	[bflag:$0x2] =	sbarrier.arrive $0xFFFF  }
0x1b0: {  	[sflag:s0] =	ssyncadd.tile.s32 @!p0 $0x1;
	_ =	shalt  }
.Lfunc_end2:
_tile_overlayer_lowered:
.L_overlay_start_2:
0x1b1: {  	(tag) =	ssettag $0x2  }
0x1b2: {  	s0 =	rddreg [dreg:$0x0];
	s2 =	stileid.u32  }
0x1b3: {  	s1 =	rddreg [dreg:$0x1];
	p0 =	sne.s32 s2, $0x0  }
0x1b4: {  	s3 =	rddreg [dreg:$0x2];
	[bflag:$0x3] =	sbarrier.arrive $0xFFFF;
	s2 =	simm.s32 @!p0 $0x1C05  }
0x1b5: {  	[timem:s3], [sflag:s2] =	dma.local @!p0 [hbm:s0], s1  }
0x1b6: {  	s0 =	simm.s32 @!p0 $0x5  }
0x1b7: {  	_ =	swait.ge @!p0 [sflag:s0], s1  }
0x1b8: {  	s1 =	ssub.s32 @!p0 $0x0, s1;
	[sflag:s0] =	ssyncset.done @!p0 $0x0  }
0x1b9: {  	[sflag:s0] =	ssyncadd.s32 @!p0 s1  }
0x1ba: {  	[bflag:$0x3] =	sbarrier.arrive $0xFFFF  }
0x1bb: {  	_ =	shalt  }

// kernel: sparse-core-data-format-call.cloned.1.call-start
scs
called_computation_lowered:
.L_overlay_start_0:
0x0: {  	s2 =	sld [smem:$0x3FD9]  }
0x1: {  	s3 =	sld [smem:$0x3FFE];
	_ =	sdelay $0x1  }
0x2: {  	s1 =	srdreg.scid  }
0x3: {  	s0 =	sand.u32 $0x1, s1  }
0x4: {  	s18 =	sshll.u32 s0, $0xA;
	s2 =	sadd.s32 s3, s2  }
0x5: {  	s2 =	sadd.s32 s2, s18  }
0x6: {  	[smem:$0x3FC5] =	sst s2  }
0x7: {  	_ = 	snop  }
0x8: {  	s2 =	sld [smem:$0x3FD0];
	(tm) =	ssettm $0x1  }
0x9: {  	s19 =	sld [smem:$0x3FFB];
	_ =	sdelay $0x3  }
0xa: {  	_ =	strace s19  }
0xb: {  	s3 =	sld [smem:$0x3FFC];
	_ =	sdelay $0x3  }
0xc: {  	_ =	strace s3  }
0xd: {  	s3 =	sld [smem:$0x3FFD];
	_ =	sdelay $0x3  }
0xe: {  	_ =	strace s3  }
0xf: {  	_ =	strace $0x8FFFFFFF  }
0x10: {  	s20 =	sld [smem:$0x3FDB];
	_ =	sdelay $0x1  }
0x11: {  	s4 =	simm.s32 $_scs_section_size  }
0x12: {  	s5 =	simm.s32 $_size__tile_overlayer_lowered;
	s6 =	simm.s32 $_tile_overlayer_lowered  }
0x13: {  	s23 =	simm.s32 $0x1BFF;
	s22 =	sshll.u32 s6, $0x1;
	s3 =	sadd.s32 s4, s20  }
0x14: {  	s7 =	simm.s32 $0x0;
	s21 =	sshll.u32 s5, $0x1;
	s5 =	sadd.s32 s22, s3  }
0x15: {  	[timem:s7], [sflag:s23] =	dma.local [hbm:s5], s21  }
0x16: {  	_ =	swait.ge [sflag:s23], s21  }
0x17: {  	s4 =	ssub.s32 $0x0, s21;
	[sflag:s23] =	ssyncset.done $0x0  }
0x18: {  	[sflag:s23] =	ssyncadd.s32 s4;
	_ =	sdelay $0x1  }
0x19: {  	s24 =	simm.s32 $0x1B8B  }
0x1a: {  	_ =	swait.ge [sflag:s24], $0x1  }
0x1b: {  	[sflag:s24] =	ssyncset.done $0x0  }
0x1c: {  	s26 =	simm.s32 $0x1B8E;
	s25 =	sld [smem:$0x3FFE];
	[sflag:s24] =	ssyncadd.s32 $0xFFFFFFFF  }
0x1d: {  	s27 =	simm.s32 $execute0_lowered;
	[smem:$0x3FD2] =	sst s26  }
0x1e: {  	s5 =	sshll.u32 s27, $0x1;
	_ =	strace $0x80000049;
	[dreg:$0x1] =	wrdreg $0xFFFFFFFF  }
0x1f: {  	s28 =	simm.s32 $_size_execute0_lowered;
	s3 =	sadd.s32 s3, s5;
	[dreg:$0x0] =	wrdreg $0x0  }
0x20: {  	s5 =	sshll.u32 s28, $0x1;
	[dreg:$0x2] =	wrdreg s3  }
0x21: {  	[dreg:$0x3] =	wrdreg s5  }
0x22: {  	[dreg:$0x4] =	wrdreg $0xC0  }
0x23: {  	_ =	task [dreg:s7], $0x5FFFF  }
0x24: {  	[dreg:$0x1] =	wrdreg $0xFFFFFFFF  }
0x25: {  	[dreg:$0x0] =	wrdreg $0x60  }
0x26: {  	[dreg:$0x2] =	wrdreg s25  }
0x27: {  	[dreg:$0x3] =	wrdreg s2  }
0x28: {  	[dreg:$0x4] =	wrdreg $0x9  }
0x29: {  	_ =	task.clear_ibuf [dreg:s7], $0x5FFFF;
	_ =	strace $0x90000049  }
0x2a: {  	s29 =	simm.s32 $0x9;
	_ =	strace $0x8000004B  }
0x2b: {  	_ =	swait.ge [sflag:s29], $0x1  }
0x2c: {  	[sflag:s29] =	ssyncadd.s32 $0xFFFFFFFF  }
0x2d: {  	_ =	strace $0x9000004B  }
0x2e: {  	_ =	sfence  }
0x2f: {  	s30 =	sld [smem:$0x0];
	_ =	sdelay $0x2  }
0x30: {  	s31 =	sshll.u32 s1, $0xD;
	s1 =	sshrl.u32 s1, $0x2  }
0x31: {  	s3 =	sand.u32 $0x4000, s31;
	s1 =	sadd.s32 s1, s30  }
0x32: {  	s0 =	sor.u32 s3, s0;
	s1 =	sshll.u32 s1, $0x11  }
0x33: {  	s0 =	sor.u32 s1, s0  }
0x34: {  	s0 =	sadd.s32 $0x8F2B, s0  }
0x35: {  	[sflag:s0] =	ssyncadd.remote.s32 $0x1  }
0x36: {  	_ =	sfence.sel $0xFFFF  }
0x37: {  	[dreg:$0x0] =	wrdreg $0xFFFFFFFF;
	(pc) =	sbr.abs _section_cstart, $3  }
0x38: {  	[dreg:$0x1] =	wrdreg $0xFFFFFFFF  }
0x39: {  	_ =	task.clear_ibuf [dreg:s7], $0x2FFFF;
	_ =	strace $0x9FFFFFFF  }
0x3a: {  	(tm) =	ssettm $0x7FFFFFFF  }
0x3b: {  	_ =	shalt  }
tec
execute0_lowered:
.L_overlay_start_1:
0x0: {  	(tag) =	ssettag $0x1  }
0x1: {  	s0 =	srdreg.scid;
	s9 =	rddreg [dreg:$0x0]  }
0x2: {  	s2 =	rddreg [dreg:$0x1];
	s7 =	simm.s32 $0x1;
	s1 =	sshll.u32 s0, $0x4  }
0x3: {  	s8 =	simm.s32 $0x2;
	s0 =	stileid.u32;
	s1 =	sand.u32 $0x10, s1  }
0x4: {  	s15 =	simm.s32 $0x0;
	s11 =	simm.s32 $0x4000;
	s1 =	sor.u32 s0, s1  }
0x5: {  	s16 =	simm.s32 $0x0;
	s12 =	simm.s32 $0x0;
	s3 =	sshll.u32 s1, $0x2  }
0x6: {  	s14 =	simm.s32 $0x0;
	s4 =	sadd.s32 $0x800, s9;
	s6 =	ssub.s32 $0x800, s3  }
0x7: {  	s1 =	rddreg [dreg:$0x2];
	_ =	strace $0x8000004A;
	s5 =	sand.u32 $0x7C, s6  }
.Ltmp0:
0x8: {  	s13 =	smov.u32 s3;
	p0 =	sne.s32 s5, $0x0;
	(pc) =	sbr.rel .LBB1_1-.Ltmp0, $4  }
0x9: {  	s6 =	sshrl.u32 s6, $0x7;
	s5 =	simm.s32 $0x1;
	s7 =	simm.s32 @!p0 $0x0  }
0xa: {  	[sflag:s5] =	ssyncpa.u1 $0x0;
	p0 =	por $0x0, $0x0;
	s6 =	sadd.s32 s7, s6  }
0xb: {  	[sflag:s8] =	ssyncpa.u1 $0x0;
	s7 =	sadd.s32 $0x8800, s9;
	s6 =	sshll.u32 s6, $0x4  }
0xc: {  	s8 =	sadd.s32 $0x10800, s9;
	s9 =	sadd.s32 $0x18800, s9;
	s10 =	sor.u32 $0x1, s6  }
.LBB1_7:
0xd: {  	s17 =	sadd.s32 $0x80, s12  }
0xe: {  	s15 =	sadd.s32 $0x80, s13;
	s19 =	smov.u32 s13;
	p2 =	sgt.s32 s17, $0x7FF  }
0xf: {  	s19 =	smov.u32 @p2 s15  }
0x10: {  	s17 =	simm.s32 @p2 $0x0;
	p2 =	sgt.s32 s19, $0x7FF  }
0x11: {  	s19 =	smov.u32 @p2 s3;
	p2 =	sne.s32 s14, s10  }
.Ltmp1:
0x12: {  	p1 =	slt.u32 s14, $0x2;
	(pc) =	sbr.rel @!p2 .LBB1_8-.Ltmp1, $4  }
0x13: {  	s18 =	simm.s32 @!p1 $0x2  }
0x14: {  	s16 =	smov.u32 s13;
	p0 =	por !p0, !p0;
	_ =	swait.ge @!p1 [sflag:s18], $0x4000  }
0x15: {  	s15 =	smov.u32 s12;
	[sflag:s18] =	ssyncset.done @!p1 $0x0;
	s12 =	smov.u32 s17  }
0x16: {  	s14 =	sadd.s32 $0x1, s14;
	[sflag:s18] =	ssyncadd.s32 @!p1 $0xFFFFC000;
	s13 =	smov.u32 s19  }
.LBB1_1:
0x17: {  	p1 =	sge.u32 s14, s6  }
0x18: {  	s17 =	sxor.u32 @!p1 $0xFFFFFFFF, s14  }
0x19: {  	s18 =	sshll.u32 @!p1 s13, $0xF;
	s19 =	sshll.u32 @!p1 s12, $0x4;
	s21 =	simm.s32 @!p1 $0x20  }
0x1a: {  	s17 =	sshll.u32 @!p1 s17, $0xE;
	s19 =	sand.u32 @!p1 $0x7FF0, s19;
	s20 =	sadd.s32 @!p1 s4, s18  }
0x1b: {  	s22 =	simm.s32 @!p1 $0x80;
	s17 =	sand.u32 @!p1 $0x4000, s17;
	s20 =	sadd.s32 @!p1 s19, s20  }
0x1c: {  	[tilespmem:s17], [sflag:$0x1] =	stream.strided.gather @!p1 [hbm4b:s20+s21], $0x1000, s22, s21, $0x38;
	[tilespmem:$0x10100] =	vst v63  }
0x1d: {  	s20 =	sadd.s32 @!p1 s18, s7  }
0x1e: {  	s23 =	sor.u32 @!p1 $0x1000, s17;
	s20 =	sadd.s32 @!p1 s19, s20  }
0x1f: {  	[tilespmem:s23], [sflag:$0x1] =	stream.strided.gather @!p1 [hbm4b:s20+s21], $0x1000, s22, s21, $0x38;
	[tilespmem:$0x10100] =	vst v63  }
0x20: {  	s20 =	sadd.s32 @!p1 s18, s8  }
0x21: {  	s23 =	sor.u32 @!p1 $0x2000, s17;
	s18 =	sadd.s32 @!p1 s18, s9;
	s20 =	sadd.s32 @!p1 s19, s20  }
0x22: {  	[tilespmem:s23], [sflag:$0x1] =	stream.strided.gather @!p1 [hbm4b:s20+s21], $0x1000, s22, s21, $0x38;
	[tilespmem:$0x10100] =	vst v63  }
0x23: {  	s31 =	sadd.s32 $0xFFFFFFFF, s14;
	s17 =	sor.u32 @!p1 $0x3000, s17;
	s18 =	sadd.s32 @!p1 s19, s18  }
0x24: {  	[tilespmem:s17], [sflag:$0x1] =	stream.strided.gather @!p1 [hbm4b:s18+s21], $0x1000, s22, s21, $0x38;
	[tilespmem:$0x10100] =	vst v63  }
0x25: {  	p1 =	sge.u32 s31, s6  }
.Ltmp2:
0x26: {  	_ = 	snop;
	(pc) =	sbr.rel @p1 .LBB1_7-.Ltmp2, $1  }
0x27: {  	_ =	sdelay $0x3  }
0x28: {  	s17 =	simm.s32 $0x1;
	s19 =	sand.u32 $0x1, s14  }
0x29: {  	_ =	swait.ge [sflag:s5], $0x4000;
	s17 =	simm.s32 @!p0 $0x0;
	s20 =	smul.u32 $0x10200, s19  }
0x2a: {  	[sflag:s5] =	ssyncset.done $0x0;
	s18 =	smul.u32 $0x10200, s17  }
0x2b: {  	s17 =	sshll.u32 s17, $0xE;
	[sflag:s5] =	ssyncadd.s32 $0xFFFFC000  }
0x2c: {  	s19 =	sor.u32 $0x10, s17;
	s31 =	sshrl.u32 s20, $0x2;
	s18 =	sshrl.u32 s18, $0x2  }
0x2d: {  	s20 =	simm.s32 $0x0;
	s17 =	sor.u32 $0x8000, s31;
	s18 =	sor.u32 $0x8000, s18  }
.LBB1_3:
0x2e: {  	v1 =	vld [tilespmem:s19+$0x0]  }
0x2f: {  	v0 =	vld [tilespmem:s19+$0xFFFFFFF0];
	_ =	sdelay $0x2  }
0x30: {  	s23 =	sadd.s32 $0x0, s18  }
0x31: {  	s21 =	simm.s32 $0x4;
	s22 =	sadd.s32 $0x20, s19;
	[tilespmem:s23+$0x810 ss:$0x81] =	vst.msk $0xffff, v1  }
.LBB1_4:
0x32: {  	v1 =	vld [tilespmem:s22+$0x0];
	p1 =	sne.s32 s21, $0x1FC;
	[tilespmem:s23+$0x0 ss:$0x81] =	vst.msk $0xffff, v0;
	s23 =	smov.u32 s21;
	s21 =	sadd.s32 $0x4, s21  }
.Ltmp3:
0x33: {  	v0 =	vld [tilespmem:s22+$0xFFFFFFF0];
	(pc) =	sbr.rel @p1 .LBB1_4-.Ltmp3, $4  }
0x34: {  	_ = 	snop  }
0x35: {  	s23 =	sshra.s32 s23, $0x2  }
0x36: {  	s23 =	sadd.s32 s23, s18  }
0x37: {  	s22 =	sadd.s32 $0x20, s22;
	[tilespmem:s23+$0x810 ss:$0x81] =	vst.msk $0xffff, v1  }
0x38: {  	s20 =	sadd.s32 $0x1, s20  }
0x39: {  	p1 =	sne.s32 s20, $0x4  }
.Ltmp4:
0x3a: {  	_ = 	snop;
	(pc) =	sbr.rel @p1 .LBB1_3-.Ltmp4, $2  }
0x3b: {  	_ =	sdelay $0x2  }
0x3c: {  	[tilespmem:s23+$0x0 ss:$0x81] =	vst.msk $0xffff, v0;
	s18 =	sadd.s32 $0x1020, s18;
	s19 =	sadd.s32 $0x1000, s19  }
0x3d: {  	s18 =	sshll.u32 s15, $0x3;
	s19 =	sand.u32 $0x78, s15;
	s16 =	sshll.u32 s16, $0xD  }
.Ltmp5:
0x3e: {  	s30 =	sand.u32 $0x1F00, s15;
	s18 =	sand.u32 $0x400, s18;
	(pc) =	sbr.rel .LBB1_7-.Ltmp5, $4  }
0x3f: {  	s31 =	sand.u32 $0x7, s15;
	s16 =	sadd.s32 s2, s16;
	s18 =	sor.u32 s19, s18  }
0x40: {  	s15 =	sshll.u32 s31, $0x12;
	s16 =	sadd.s32 s30, s16;
	s18 =	sshrl.u32 s18, $0x3  }
0x41: {  	s15 =	sor.u32 $0x400, s15;
	s16 =	sadd.s32 s18, s16  }
0x42: {  	[hbm4b:s16+s15] =	stream.strided.scatter [tilespmem:s17], [sflag:$0x2], $0x4000, s11, s15, $0x20;
	[tilespmem:$0x10100] =	vst v63  }
.LBB1_8:
0x43: {  	_ =	sfence.sel $0x180000  }
0x44: {  	s2 =	simm.s32 $0x1;
	[bflag:$0x0] =	sbarrier.arrive $0xFFFF  }
0x45: {  	s31 =	simm.s32 $0x2;
	[sflag:s2] =	ssyncpa.u1 $0x1  }
0x46: {  	[sflag:s31] =	ssyncpa.u1 $0x1  }
0x47: {  	p0 =	sne.s32 s0, $0x0;
	_ =	strace $0x9000004A  }
0x48: {  	s0 =	sadd.s32 @!p0 $0x100000, s1;
	[bflag:$0x2] =	sbarrier.arrive $0xFFFF  }
0x49: {  	[sflag:s0] =	ssyncadd.tile.s32 @!p0 $0x1;
	_ =	shalt  }
.Lfunc_end1:
_tile_overlayer_lowered:
.L_overlay_start_2:
0x4a: {  	(tag) =	ssettag $0x2  }
0x4b: {  	s0 =	rddreg [dreg:$0x0];
	s2 =	stileid.u32  }
0x4c: {  	s1 =	rddreg [dreg:$0x1];
	p0 =	sne.s32 s2, $0x0  }
0x4d: {  	s3 =	rddreg [dreg:$0x2];
	[bflag:$0x3] =	sbarrier.arrive $0xFFFF;
	s2 =	simm.s32 @!p0 $0x1C01  }
0x4e: {  	[timem:s3], [sflag:s2] =	dma.local @!p0 [hbm:s0], s1  }
0x4f: {  	s0 =	simm.s32 @!p0 $0x1  }
0x50: {  	_ =	swait.ge @!p0 [sflag:s0], s1  }
0x51: {  	s1 =	ssub.s32 @!p0 $0x0, s1;
	[sflag:s0] =	ssyncset.done @!p0 $0x0  }
0x52: {  	[sflag:s0] =	ssyncadd.s32 @!p0 s1  }
0x53: {  	[bflag:$0x3] =	sbarrier.arrive $0xFFFF  }
0x54: {  	_ =	shalt  }

</sc_bundles>
